<compile_context>
chip_gen: v7x
topology: tpu7x:2x2x1
jax: 0.10.2.dev20260603
libtpu: 0.0.44.dev20260713+nightly
codegen_flags: <defaults>
</compile_context>

<pallas_src>
import jax
import jax.numpy as jnp
from jax.experimental import pallas as pl
from jax.experimental.pallas import tpu as pltpu
from jax.experimental.pallas import tpu_sc as plsc

_N = 10000
_D = 64
_SCALE = 6
_K = 10
_LAT = 96
_IN_DIM = 3000
_BQ = 80
_NBLK = _N // _BQ
_NPAD = 10240
_GW = 128
_VD = 128
_NK = 10112


def _knn_body(sqq_ref, q_ref, st_ref, sqk_ref, idx_ref, d2_ref):
    qb = q_ref[...].astype(jnp.bfloat16)
    sb = st_ref[...].astype(jnp.bfloat16)
    t = jax.lax.dot_general(qb, sb, (((1,), (0,)), ((), ())),
                            preferred_element_type=jnp.float32)
    d2_ref[...] = (sqq_ref[...] + sqk_ref[...]) - 2.0 * t
    iota = jax.lax.broadcasted_iota(jnp.int32, (_BQ, _NK), 1)
    cols = []
    for k in range(_K):
        d2 = d2_ref[...]
        m = jnp.min(d2, axis=1, keepdims=True)
        sel = jnp.where(d2 == m, iota, jnp.int32(2**30))
        j = jnp.min(sel, axis=1, keepdims=True)
        cols.append(j)
        if k + 1 < _K:
            d2_ref[...] = jnp.where(iota == j, jnp.float32(jnp.inf), d2)
    idx_ref[...] = jnp.concatenate(cols, axis=1)


def _knn(spatial):
    sq = jnp.sum(spatial * spatial, axis=1)
    st_pad = jnp.pad(spatial.T, ((0, 0), (0, _NK - _N)))
    sqk_pad = jnp.pad(sq[None, :], ((0, 0), (0, _NK - _N)),
                      constant_values=1e30)
    return pl.pallas_call(
        _knn_body,
        grid=(_NBLK,),
        in_specs=[
            pl.BlockSpec((_BQ, 1), lambda i: (i, 0)),
            pl.BlockSpec((_BQ, 2), lambda i: (i, 0)),
            pl.BlockSpec((2, _NK), lambda i: (0, 0)),
            pl.BlockSpec((1, _NK), lambda i: (0, 0)),
        ],
        out_specs=pl.BlockSpec((_BQ, _K), lambda i: (i, 0)),
        out_shape=jax.ShapeDtypeStruct((_N, _K), jnp.int32),
        scratch_shapes=[pltpu.VMEM((_BQ, _NK), jnp.float32)],
        compiler_params=pltpu.CompilerParams(
            dimension_semantics=("parallel",)),
    )(sq[:, None], spatial, st_pad, sqk_pad)


def _dot(a, b):
    return jax.lax.dot_general(
        a, b, (((1,), (0,)), ((), ())),
        precision=jax.lax.Precision.HIGHEST,
        preferred_element_type=jnp.float32,
    )


def _dot_bf16(a, b):
    return jax.lax.dot_general(
        a.astype(jnp.bfloat16), b.astype(jnp.bfloat16),
        (((1,), (0,)), ((), ())),
        preferred_element_type=jnp.float32,
    )


def _bf(v):
    return v.astype(jnp.bfloat16).astype(jnp.float32)


def _yhr_body(xn_ref, whr_ref, out_ref):
    acc = jnp.zeros((_BQ, _LAT), jnp.float32)
    for s in range(_SCALE):
        acc = acc + _dot(xn_ref[s], whr_ref[s])
    out_ref[...] = acc


def _yhr(x_neighbor, W_hr):
    return pl.pallas_call(
        _yhr_body,
        grid=(_NBLK,),
        in_specs=[
            pl.BlockSpec((_SCALE, _BQ, _D), lambda i: (0, i, 0)),
            pl.BlockSpec((_SCALE, _D, _LAT), lambda i: (0, 0, 0)),
        ],
        out_specs=pl.BlockSpec((_BQ, _LAT), lambda i: (i, 0)),
        out_shape=jax.ShapeDtypeStruct((_N, _LAT), jnp.float32),
        compiler_params=pltpu.CompilerParams(
            dimension_semantics=("parallel",)),
    )(x_neighbor.reshape(_SCALE, _N, _D), W_hr.reshape(_SCALE, _D, _LAT))


def _sc_gather(table, flat_idx):
    rows = flat_idx.shape[1]
    vd = table.shape[1]
    window = _GW
    mesh = plsc.VectorSubcoreMesh(core_axis_name="c", subcore_axis_name="s")

    @pl.kernel(out_type=jax.ShapeDtypeStruct((rows, vd), table.dtype),
               mesh=mesh)
    def gather_kernel(tab_hbm, i_hbm, o_hbm):
        def body(i_vmem, o_vmem):
            pltpu.sync_copy(tab_hbm.at[i_vmem.at[0]], o_vmem)

        pltpu.emit_pipeline(
            body,
            grid=(rows // window,),
            in_specs=[pl.BlockSpec((1, window), lambda i: (0, i))],
            out_specs=[pl.BlockSpec((window, vd), lambda i: (i, 0))],
            core_axis_name=("c", "s"),
            dimension_semantics=(pltpu.PARALLEL,),
        )(i_hbm, o_hbm)

    return gather_kernel(table, flat_idx)


def _final_body(gx_ref, gy_ref, xq_ref, wlr_ref, decw_ref, decb_ref,
                gam_ref, bet_ref, z_ref, de_ref, hr_ref):
    xq = xq_ref[...]
    fcols = []
    for k in range(_K):
        diff = gx_ref[k] - xq
        fcols.append(jnp.sum(diff * diff, axis=1, keepdims=True))
    fd2 = jnp.concatenate(fcols, axis=1)
    score = jax.nn.softmax(-fd2, axis=-1)
    agg_lr = jnp.zeros((_BQ, _VD), jnp.float32)
    agg_hr = jnp.zeros((_BQ, _VD), jnp.float32)
    for k in range(_K):
        sk = _bf(score[:, k:k + 1])
        agg_lr = agg_lr + sk * _bf(gx_ref[k])
        agg_hr = agg_hr + sk * _bf(gy_ref[k])
    z = _dot_bf16(agg_lr, wlr_ref[...])
    z_ref[...] = z
    hr_ref[...] = agg_hr[:, 0:_LAT]
    h = _dot_bf16(z, decw_ref[...]) + decb_ref[...]
    h = h / jnp.sqrt(jnp.float32(1.0 + 1e-4)) * gam_ref[...] + bet_ref[...]
    de_ref[...] = jnp.where(h > 0, h, jnp.exp(jnp.minimum(h, 0.0)) - 1.0)


def _final(gx, gy, x, W_lr, dec_W, dec_b, bn_gamma, bn_beta):
    return pl.pallas_call(
        _final_body,
        grid=(_NBLK,),
        in_specs=[
            pl.BlockSpec((_K, _BQ, _VD), lambda i: (0, i, 0)),
            pl.BlockSpec((_K, _BQ, _VD), lambda i: (0, i, 0)),
            pl.BlockSpec((_BQ, _VD), lambda i: (i, 0)),
            pl.BlockSpec((_VD, _LAT), lambda i: (0, 0)),
            pl.BlockSpec((_LAT, _IN_DIM), lambda i: (0, 0)),
            pl.BlockSpec((1, _IN_DIM), lambda i: (0, 0)),
            pl.BlockSpec((1, _IN_DIM), lambda i: (0, 0)),
            pl.BlockSpec((1, _IN_DIM), lambda i: (0, 0)),
        ],
        out_specs=[
            pl.BlockSpec((_BQ, _LAT), lambda i: (i, 0)),
            pl.BlockSpec((_BQ, _IN_DIM), lambda i: (i, 0)),
            pl.BlockSpec((_BQ, _LAT), lambda i: (i, 0)),
        ],
        out_shape=[
            jax.ShapeDtypeStruct((_N, _LAT), jnp.float32),
            jax.ShapeDtypeStruct((_N, _IN_DIM), jnp.float32),
            jax.ShapeDtypeStruct((_N, _LAT), jnp.float32),
        ],
        compiler_params=pltpu.CompilerParams(
            dimension_semantics=("parallel",)),
    )(gx, gy, x, W_lr, dec_W, dec_b.reshape(1, _IN_DIM),
      bn_gamma.reshape(1, _IN_DIM), bn_beta.reshape(1, _IN_DIM))


def kernel(x, x_neighbor, spatial, W_lr, W_hr, dec_W, dec_b, bn_gamma,
           bn_beta, training):
    idx = _knn(spatial)
    yhr = _yhr(x_neighbor, W_hr)
    x_pad = jnp.pad(x, ((0, 0), (0, _VD - _D)))
    yhr_pad = jnp.pad(yhr, ((0, 0), (0, _VD - _LAT)))
    wlr_pad = jnp.pad(W_lr, ((0, _VD - _D), (0, 0)))
    idx_km = jnp.zeros((_K, _NPAD), jnp.int32).at[:, :_N].set(idx.T)
    flat = idx_km.reshape(1, _K * _NPAD)
    gx = _sc_gather(x_pad, flat).reshape(_K, _NPAD, _VD)
    gy = _sc_gather(yhr_pad, flat).reshape(_K, _NPAD, _VD)
    z, de_feat, x1_hr = _final(gx, gy, x_pad, wlr_pad, dec_W, dec_b,
                               bn_gamma, bn_beta)
    return (z, de_feat, x1_hr)

# --- scband reference (transcript-rebuilt; emitter-appended) ---
"""Pipeline reference for scband-st-transformer-super-gai-515396075934 (READ-ONLY COPY).

The authoritative reference and input builder live on the scoring server;
editing this copy changes nothing except your own understanding.
"""

import jax, jax.numpy as jnp
import numpy as np

N = 10000
D = 64          # feat_hidden2
SCALE = 6
K = 10
LAT = 96        # gcn_hidden2 + feat_hidden2 = 32 + 64
IN_DIM = 3000   # input_dim (decoder output)


def setup_inputs(seed: int = 0) -> dict:
    key = jax.random.key(seed)
    ks = jax.random.split(key, 10)
    x = jax.random.normal(ks[0], (N, D), dtype=jnp.float32)
    x_neighbor = jax.random.normal(ks[1], (SCALE * N, D), dtype=jnp.float32)
    spatial = jax.random.uniform(ks[2], (N, 2), dtype=jnp.float32) * 100.0
    W_lr = jax.random.normal(ks[3], (D, LAT), dtype=jnp.float32) * 0.05
    W_hr = jax.random.normal(ks[4], (SCALE * D, LAT), dtype=jnp.float32) * 0.05
    dec_W = jax.random.normal(ks[5], (LAT, IN_DIM), dtype=jnp.float32) * 0.05
    dec_b = jnp.zeros((IN_DIM,), dtype=jnp.float32)
    bn_gamma = jnp.ones((IN_DIM,), dtype=jnp.float32)
    bn_beta = jnp.zeros((IN_DIM,), dtype=jnp.float32)
    return {
        "x": x,
        "x_neighbor": x_neighbor,
        "spatial": spatial,
        "W_lr": W_lr,
        "W_hr": W_hr,
        "dec_W": dec_W,
        "dec_b": dec_b,
        "bn_gamma": bn_gamma,
        "bn_beta": bn_beta,
        "training": 0,
    }


def reference(x, x_neighbor, spatial, W_lr, W_hr, dec_W, dec_b, bn_gamma, bn_beta, training):
    # --- x_neighbor reshuffle: (scale*N, D) -> (scale, N, D) -> (N, scale, D) -> (N, scale*D)
    xn = x_neighbor.reshape(SCALE, N, D)
    xn = jnp.swapaxes(xn, 0, 1)
    xn = xn.reshape(N, SCALE * D)

    # --- Graph_spatial: brute-force kNN over spatial coordinates ---
    sq = jnp.sum(spatial * spatial, axis=1)
    d2 = sq[:, None] + sq[None, :] - 2.0 * (spatial @ spatial.T)   # [N, N]
    _, idx_k = jax.lax.top_k(-d2, K)                               # [N, K] nearest (incl self)
    idx_k = jax.lax.stop_gradient(idx_k)

    # gather neighbor features; score from feature-space distance (softmax over k)
    neigh = x[idx_k]                                                # [N, K, D]
    diff_patch = neigh - x[:, None, :]                              # [N, K, D]
    diff_patch = jax.lax.stop_gradient(diff_patch)
    feat_d2 = jnp.sum((neigh - x[:, None, :]) ** 2, axis=-1)        # [N, K]
    score_k = jax.nn.softmax(-feat_d2, axis=-1)                     # [N, K]

    # --- GCNBlock_spatial: weighted neighbor aggregation (lr) and super-res (hr) ---
    agg_lr = jnp.einsum("nk,nkd->nd", score_k, neigh)               # [N, D]
    x1_lr = agg_lr @ W_lr                                           # [N, LAT]
    neigh_hr = xn[idx_k]                                            # [N, K, SCALE*D]
    agg_hr = jnp.einsum("nk,nkd->nd", score_k, neigh_hr)            # [N, SCALE*D]
    x1_hr = agg_hr @ W_hr                                           # [N, LAT]

    z = x1_lr

    # --- decoder: Linear -> BatchNorm1d (eval, running stats 0/1) -> ELU -> Dropout(off) ---
    h = z @ dec_W + dec_b
    h = (h - 0.0) / jnp.sqrt(1.0 + 1e-4) * bn_gamma + bn_beta
    de_feat = jax.nn.elu(h)

    return (z, de_feat, x1_hr)

if __name__ == "__main__":
    import jax
    _d = setup_inputs()
    print(jax.jit(kernel)(*tuple(_d.values())))

</pallas_src>

<mosaic_0001>
#map = affine_map<(d0, d1) -> (0, 0)>
module attributes {stable_mosaic.version = 14 : i64} {
  func.func @gather_kernel(%arg0: i32, %arg1: i32, %arg2: memref<10000x128xf32, #tpu.memory_space<hbm>>, %arg3: memref<1x102400xi32, #tpu.memory_space<hbm>>, %arg4: memref<102400x128xf32, #tpu.memory_space<hbm>>) attributes {dimension_semantics = [#tpu.dimension_semantics<core_parallel>, #tpu.dimension_semantics<subcore_parallel>], iteration_bounds = array<i64: 2, 16>, scalar_prefetch = 0 : i64, scratch_operands = 0 : i64, tpu.core_type = #tpu.core_type<sc_vector_subcore>, window_params = [{transform_indices = #map}, {transform_indices = #map}, {transform_indices = #map}]} {
    %mul3A = arith.constant 1 : i32
    %mul3A_0 = arith.muli %arg1, %mul3A : i32
    %add3A = arith.constant 0 : i32
    %add3A_1 = arith.addi %add3A, %mul3A_0 : i32
    %mul3A_2 = arith.constant 16 : i32
    %mul3A_3 = arith.muli %arg0, %mul3A_2 : i32
    %add3A_4 = arith.addi %add3A_1, %mul3A_3 : i32
    %mul3A_5 = arith.constant 25 : i32
    %mul3A_6 = arith.muli %add3A_4, %mul3A_5 : i32
    "tpu.region"() ({
      %run_scoped3A = memref.alloca() : memref<2x1x128xi32, #tpu.memory_space<vmem>>
      %run_scoped3A_7 = tpu.sem_alloc : memref<2x!tpu.dma_semaphore, #tpu.memory_space<semaphore_mem>>
      %run_scoped3A_8 = memref.alloca() : memref<2x128x128xf32, #tpu.memory_space<vmem>>
      %run_scoped3A_9 = tpu.sem_alloc : memref<2x!tpu.dma_semaphore, #tpu.memory_space<semaphore_mem>>
      %add3A_10 = arith.constant 0 : i32
      %add3A_11 = arith.addi %add3A_10, %mul3A_6 : i32
      %select_n3A = arith.constant true
      %select_n3A_12 = arith.constant 0 : i32
      %select_n3A_13 = arith.constant -1 : i32
      %select_n3A_14 = arith.select %select_n3A, %select_n3A_13, %select_n3A_12 : i32
      %eq3A = arith.constant -1 : i32
      %eq3A_15 = arith.cmpi eq, %select_n3A_14, %eq3A : i32
      %select_n3A_16 = arith.constant 24 : i32
      %select_n3A_17 = arith.select %eq3A_15, %select_n3A_16, %select_n3A_14 : i32
      %add3A_18 = arith.addi %select_n3A_17, %mul3A_6 : i32
      %select_n3A_19 = arith.constant true
      %select_n3A_20 = arith.constant 0 : i32
      %select_n3A_21 = arith.constant 1 : i32
      %select_n3A_22 = arith.select %select_n3A_19, %select_n3A_21, %select_n3A_20 : i32
      %eq3A_23 = arith.constant 25 : i32
      %eq3A_24 = arith.cmpi eq, %select_n3A_22, %eq3A_23 : i32
      %select_n3A_25 = arith.constant 0 : i32
      %select_n3A_26 = arith.select %eq3A_24, %select_n3A_25, %select_n3A_22 : i32
      %add3A_27 = arith.addi %select_n3A_26, %mul3A_6 : i32
      %add3A_28 = arith.constant 1 : i32
      %add3A_29 = arith.addi %select_n3A_26, %add3A_28 : i32
      %select_n3A_30 = arith.constant true
      %select_n3A_31 = arith.select %select_n3A_30, %add3A_29, %select_n3A_26 : i32
      %eq3A_32 = arith.constant 25 : i32
      %eq3A_33 = arith.cmpi eq, %select_n3A_31, %eq3A_32 : i32
      %select_n3A_34 = arith.constant 0 : i32
      %select_n3A_35 = arith.select %eq3A_33, %select_n3A_34, %select_n3A_31 : i32
      %add3A_36 = arith.addi %select_n3A_35, %mul3A_6 : i32
      "tpu.trace_start"() <{level = 10 : i32, message = "ep_initialize_0"}> : () -> ()
      %rem3A = arith.constant 0 : i32
      %rem3A_37 = arith.constant 2 : i32
      %rem3A_38 = arith.remui %rem3A, %rem3A_37 : i32
      %mul3A_39 = arith.constant 128 : i32
      %mul3A_40 = arith.muli %mul3A_39, %add3A_11 : i32
      %dma_start3A = arith.constant 0 : i32
      %dma_start3A_41 = arith.constant 0 : i32
      %dma_start3A_42 = tpu.memref_slice %run_scoped3A[%rem3A_38, %dma_start3A, %dma_start3A_41] : memref<2x1x128xi32, #tpu.memory_space<vmem>> -> memref<1x1x128xi32, #tpu.memory_space<vmem>>
      %dma_start3A_43 = tpu.memref_squeeze %dma_start3A_42 : memref<1x1x128xi32, #tpu.memory_space<vmem>> -> memref<1x128xi32, #tpu.memory_space<vmem>>
      %dma_start3A_44 = arith.constant 0 : i32
      %dma_start3A_45 = tpu.memref_slice %arg3[%dma_start3A_44, %mul3A_40] : memref<1x102400xi32, #tpu.memory_space<hbm>> -> memref<1x128xi32, #tpu.memory_space<hbm>>
      %dma_start3A_46 = tpu.memref_slice %run_scoped3A_7[%rem3A_38] : memref<2x!tpu.dma_semaphore, #tpu.memory_space<semaphore_mem>> -> memref<1x!tpu.dma_semaphore, #tpu.memory_space<semaphore_mem>>
      %dma_start3A_47 = tpu.memref_squeeze %dma_start3A_46 : memref<1x!tpu.dma_semaphore, #tpu.memory_space<semaphore_mem>> -> memref<!tpu.dma_semaphore, #tpu.memory_space<semaphore_mem>>
      %dma_start3A_48 = arith.constant 0 : i32
      %dma_start3A_49 = arith.constant 0 : i32
      %dma_start3A_50 = tpu.memref_slice %run_scoped3A[%rem3A_38, %dma_start3A_48, %dma_start3A_49] : memref<2x1x128xi32, #tpu.memory_space<vmem>> -> memref<1x1x128xi32, #tpu.memory_space<vmem>>
      %dma_start3A_51 = tpu.memref_squeeze %dma_start3A_50 : memref<1x1x128xi32, #tpu.memory_space<vmem>> -> memref<1x128xi32, #tpu.memory_space<vmem>>
      %dma_start3A_52 = arith.constant 0 : i32
      %dma_start3A_53 = tpu.memref_slice %arg3[%dma_start3A_52, %mul3A_40] : memref<1x102400xi32, #tpu.memory_space<hbm>> -> memref<1x128xi32, #tpu.memory_space<hbm>>
      tpu.enqueue_dma source(%dma_start3A_53 : memref<1x128xi32, #tpu.memory_space<hbm>>) target(%dma_start3A_51 : memref<1x128xi32, #tpu.memory_space<vmem>>) target_semaphore(%dma_start3A_47 : memref<!tpu.dma_semaphore, #tpu.memory_space<semaphore_mem>>)
      %add3A_54 = arith.constant 0 : i32
      %add3A_55 = arith.constant 1 : i32
      %add3A_56 = arith.addi %add3A_54, %add3A_55 : i32
      %select_n3A_57 = arith.constant true
      %select_n3A_58 = arith.constant 0 : i32
      %select_n3A_59 = arith.select %select_n3A_57, %add3A_56, %select_n3A_58 : i32
      "tpu.trace_stop"() : () -> ()
      %scan3A = arith.constant 0 : i32
      %scan3A_60 = arith.constant 0 : i32
      %scan3A_61 = arith.constant 0 : i32
      %scan3A_62 = arith.constant 0 : i32
      %scan3A_63 = arith.constant 0 : i32
      %scan3A_64 = arith.constant 25 : i32
      %scan3A_65 = arith.addi %scan3A_63, %scan3A_64 : i32
      %scan3A_66 = arith.constant 1 : i32
      %scan3A_67:5 = scf.for %scan3A_121 = %scan3A_63 to %scan3A_65 step %scan3A_66 iter_args(%scan3A_122 = %select_n3A_59, %scan3A_123 = %scan3A, %scan3A_124 = %scan3A_60, %scan3A_125 = %scan3A_61, %scan3A_126 = %scan3A_62) -> (i32, i32, i32, i32, i32)  : i32 {
        %eq3A_127 = arith.constant 0 : i32
        %eq3A_128 = arith.cmpi eq, %scan3A_121, %eq3A_127 : i32
        %eq3A_129 = arith.constant 24 : i32
        %eq3A_130 = arith.cmpi eq, %scan3A_121, %eq3A_129 : i32
        %add3A_131 = arith.addi %scan3A_126, %mul3A_6 : i32
        %sub3A_132 = arith.constant 1 : i32
        %sub3A_133 = arith.subi %scan3A_126, %sub3A_132 : i32
        %select_n3A_134 = arith.constant true
        %select_n3A_135 = arith.select %select_n3A_134, %sub3A_133, %scan3A_126 : i32
        %eq3A_136 = arith.constant -1 : i32
        %eq3A_137 = arith.cmpi eq, %select_n3A_135, %eq3A_136 : i32
        %select_n3A_138 = arith.constant 24 : i32
        %select_n3A_139 = arith.select %eq3A_137, %select_n3A_138, %select_n3A_135 : i32
        %add3A_140 = arith.addi %select_n3A_139, %mul3A_6 : i32
        %add3A_141 = arith.constant 1 : i32
        %add3A_142 = arith.addi %scan3A_126, %add3A_141 : i32
        %select_n3A_143 = arith.constant true
        %select_n3A_144 = arith.select %select_n3A_143, %add3A_142, %scan3A_126 : i32
        %eq3A_145 = arith.constant 25 : i32
        %eq3A_146 = arith.cmpi eq, %select_n3A_144, %eq3A_145 : i32
        %select_n3A_147 = arith.constant 0 : i32
        %select_n3A_148 = arith.select %eq3A_146, %select_n3A_147, %select_n3A_144 : i32
        %add3A_149 = arith.addi %select_n3A_148, %mul3A_6 : i32
        %add3A_150 = arith.constant 1 : i32
        %add3A_151 = arith.addi %select_n3A_148, %add3A_150 : i32
        %select_n3A_152 = arith.constant true
        %select_n3A_153 = arith.select %select_n3A_152, %add3A_151, %select_n3A_148 : i32
        %eq3A_154 = arith.constant 25 : i32
        %eq3A_155 = arith.cmpi eq, %select_n3A_153, %eq3A_154 : i32
        %select_n3A_156 = arith.constant 0 : i32
        %select_n3A_157 = arith.select %eq3A_155, %select_n3A_156, %select_n3A_153 : i32
        %add3A_158 = arith.addi %select_n3A_157, %mul3A_6 : i32
        %ne3A = arith.cmpi ne, %add3A_131, %add3A_149 : i32
        %or3A = arith.constant false
        %or3A_159 = arith.ori %or3A, %ne3A : i1
        %ge3A = arith.constant 24 : i32
        %ge3A_160 = arith.cmpi sge, %scan3A_121, %ge3A : i32
        %not3A = arith.constant true
        %not3A_161 = arith.xori %ge3A_160, %not3A : i1
        %and3A = arith.andi %or3A_159, %not3A_161 : i1
        %convert_element_type3A = arith.extui %and3A : i1 to i32
        %cond3A = arith.constant 0 : i32
        %cond3A_162 = arith.cmpi ne, %convert_element_type3A, %cond3A : i32
        scf.if %cond3A_162 {
          "tpu.trace_start"() <{level = 10 : i32, message = "ep_copy_in"}> : () -> ()
          %rem3A_264 = arith.constant 2 : i32
          %rem3A_265 = arith.remui %scan3A_122, %rem3A_264 : i32
          %mul3A_266 = arith.constant 128 : i32
          %mul3A_267 = arith.muli %mul3A_266, %add3A_149 : i32
          %dma_start3A_268 = arith.constant 0 : i32
          %dma_start3A_269 = arith.constant 0 : i32
          %dma_start3A_270 = tpu.memref_slice %run_scoped3A[%rem3A_265, %dma_start3A_268, %dma_start3A_269] : memref<2x1x128xi32, #tpu.memory_space<vmem>> -> memref<1x1x128xi32, #tpu.memory_space<vmem>>
          %dma_start3A_271 = tpu.memref_squeeze %dma_start3A_270 : memref<1x1x128xi32, #tpu.memory_space<vmem>> -> memref<1x128xi32, #tpu.memory_space<vmem>>
          %dma_start3A_272 = arith.constant 0 : i32
          %dma_start3A_273 = tpu.memref_slice %arg3[%dma_start3A_272, %mul3A_267] : memref<1x102400xi32, #tpu.memory_space<hbm>> -> memref<1x128xi32, #tpu.memory_space<hbm>>
          %dma_start3A_274 = tpu.memref_slice %run_scoped3A_7[%rem3A_265] : memref<2x!tpu.dma_semaphore, #tpu.memory_space<semaphore_mem>> -> memref<1x!tpu.dma_semaphore, #tpu.memory_space<semaphore_mem>>
          %dma_start3A_275 = tpu.memref_squeeze %dma_start3A_274 : memref<1x!tpu.dma_semaphore, #tpu.memory_space<semaphore_mem>> -> memref<!tpu.dma_semaphore, #tpu.memory_space<semaphore_mem>>
          %dma_start3A_276 = arith.constant 0 : i32
          %dma_start3A_277 = arith.constant 0 : i32
          %dma_start3A_278 = tpu.memref_slice %run_scoped3A[%rem3A_265, %dma_start3A_276, %dma_start3A_277] : memref<2x1x128xi32, #tpu.memory_space<vmem>> -> memref<1x1x128xi32, #tpu.memory_space<vmem>>
          %dma_start3A_279 = tpu.memref_squeeze %dma_start3A_278 : memref<1x1x128xi32, #tpu.memory_space<vmem>> -> memref<1x128xi32, #tpu.memory_space<vmem>>
          %dma_start3A_280 = arith.constant 0 : i32
          %dma_start3A_281 = tpu.memref_slice %arg3[%dma_start3A_280, %mul3A_267] : memref<1x102400xi32, #tpu.memory_space<hbm>> -> memref<1x128xi32, #tpu.memory_space<hbm>>
          tpu.enqueue_dma source(%dma_start3A_281 : memref<1x128xi32, #tpu.memory_space<hbm>>) target(%dma_start3A_279 : memref<1x128xi32, #tpu.memory_space<vmem>>) target_semaphore(%dma_start3A_275 : memref<!tpu.dma_semaphore, #tpu.memory_space<semaphore_mem>>)
          "tpu.trace_stop"() : () -> ()
        } else {
        }
        %and3A_163 = arith.constant true
        %and3A_164 = arith.andi %and3A, %and3A_163 : i1
        %add3A_165 = arith.constant 1 : i32
        %add3A_166 = arith.addi %scan3A_122, %add3A_165 : i32
        %select_n3A_167 = arith.select %and3A_164, %add3A_166, %scan3A_122 : i32
        %ne3A_168 = arith.cmpi ne, %add3A_131, %add3A_149 : i32
        %or3A_169 = arith.constant false
        %or3A_170 = arith.ori %or3A_169, %ne3A_168 : i1
        %or3A_171 = arith.constant false
        %or3A_172 = arith.ori %or3A_170, %or3A_171 : i1
        %ge3A_173 = arith.constant 24 : i32
        %ge3A_174 = arith.cmpi sge, %scan3A_121, %ge3A_173 : i32
        %not3A_175 = arith.constant true
        %not3A_176 = arith.xori %ge3A_174, %not3A_175 : i1
        %and3A_177 = arith.andi %or3A_172, %not3A_176 : i1
        %ne3A_178 = arith.cmpi ne, %add3A_131, %add3A_140 : i32
        %or3A_179 = arith.constant false
        %or3A_180 = arith.ori %or3A_179, %ne3A_178 : i1
        %or3A_181 = arith.ori %or3A_180, %eq3A_128 : i1
        %convert_element_type3A_182 = arith.extui %or3A_181 : i1 to i32
        %cond3A_183 = arith.constant 0 : i32
        %cond3A_184 = arith.cmpi ne, %convert_element_type3A_182, %cond3A_183 : i32
        scf.if %cond3A_184 {
          "tpu.trace_start"() <{level = 10 : i32, message = "ep_wait_in"}> : () -> ()
          %mul3A_264 = arith.constant 128 : i32
          %mul3A_265 = arith.muli %mul3A_264, %add3A_131 : i32
          %rem3A_266 = arith.constant 2 : i32
          %rem3A_267 = arith.remui %scan3A_123, %rem3A_266 : i32
          %dma_wait3A_268 = arith.constant 0 : i32
          %dma_wait3A_269 = arith.constant 0 : i32
          %dma_wait3A_270 = tpu.memref_slice %run_scoped3A[%rem3A_267, %dma_wait3A_268, %dma_wait3A_269] : memref<2x1x128xi32, #tpu.memory_space<vmem>> -> memref<1x1x128xi32, #tpu.memory_space<vmem>>
          %dma_wait3A_271 = tpu.memref_squeeze %dma_wait3A_270 : memref<1x1x128xi32, #tpu.memory_space<vmem>> -> memref<1x128xi32, #tpu.memory_space<vmem>>
          %dma_wait3A_272 = arith.constant 0 : i32
          %dma_wait3A_273 = tpu.memref_slice %arg3[%dma_wait3A_272, %mul3A_265] : memref<1x102400xi32, #tpu.memory_space<hbm>> -> memref<1x128xi32, #tpu.memory_space<hbm>>
          %dma_wait3A_274 = tpu.memref_slice %run_scoped3A_7[%rem3A_267] : memref<2x!tpu.dma_semaphore, #tpu.memory_space<semaphore_mem>> -> memref<1x!tpu.dma_semaphore, #tpu.memory_space<semaphore_mem>>
          %dma_wait3A_275 = tpu.memref_squeeze %dma_wait3A_274 : memref<1x!tpu.dma_semaphore, #tpu.memory_space<semaphore_mem>> -> memref<!tpu.dma_semaphore, #tpu.memory_space<semaphore_mem>>
          %dma_wait3A_276 = arith.constant 0 : i32
          %dma_wait3A_277 = arith.constant 0 : i32
          %dma_wait3A_278 = tpu.memref_slice %run_scoped3A[%rem3A_267, %dma_wait3A_276, %dma_wait3A_277] : memref<2x1x128xi32, #tpu.memory_space<vmem>> -> memref<1x1x128xi32, #tpu.memory_space<vmem>>
          %dma_wait3A_279 = tpu.memref_squeeze %dma_wait3A_278 : memref<1x1x128xi32, #tpu.memory_space<vmem>> -> memref<1x128xi32, #tpu.memory_space<vmem>>
          %dma_wait3A_280 = arith.constant 0 : i32
          %dma_wait3A_281 = tpu.memref_slice %arg3[%dma_wait3A_280, %mul3A_265] : memref<1x102400xi32, #tpu.memory_space<hbm>> -> memref<1x128xi32, #tpu.memory_space<hbm>>
          tpu.wait_dma2 semaphore(%dma_wait3A_275 : memref<!tpu.dma_semaphore, #tpu.memory_space<semaphore_mem>>) src(%dma_wait3A_281 : memref<1x128xi32, #tpu.memory_space<hbm>>) dst(%dma_wait3A_279 : memref<1x128xi32, #tpu.memory_space<vmem>>)
          "tpu.trace_stop"() : () -> ()
        } else {
        }
        %ne3A_185 = arith.cmpi ne, %add3A_131, %add3A_140 : i32
        %or3A_186 = arith.constant false
        %or3A_187 = arith.ori %or3A_186, %ne3A_185 : i1
        %or3A_188 = arith.constant false
        %or3A_189 = arith.ori %or3A_187, %or3A_188 : i1
        %or3A_190 = arith.ori %or3A_189, %eq3A_128 : i1
        %convert_element_type3A_191 = arith.extui %or3A_190 : i1 to i32
        %cond3A_192 = arith.constant 0 : i32
        %cond3A_193 = arith.cmpi ne, %convert_element_type3A_191, %cond3A_192 : i32
        scf.if %cond3A_193 {
        } else {
        }
        %rem3A_194 = arith.constant 2 : i32
        %rem3A_195 = arith.remui %scan3A_123, %rem3A_194 : i32
        %rem3A_196 = arith.constant 2 : i32
        %rem3A_197 = arith.remui %scan3A_124, %rem3A_196 : i32
        %run_scoped3A_198 = arith.constant 0 : i32
        "tpu.trace_start"() <{level = 10 : i32, message = "ep_run_kernel"}> : () -> ()
        "tpu.region"() ({
          %run_scoped3A_264 = tpu.sem_alloc : memref<!tpu.dma_semaphore, #tpu.memory_space<semaphore_mem>>
          %dma_start3A_265 = arith.constant 0 : i32
          %dma_start3A_266 = arith.constant 0 : i32
          %dma_start3A_267 = tpu.memref_slice %run_scoped3A_8[%rem3A_197, %dma_start3A_265, %dma_start3A_266] : memref<2x128x128xf32, #tpu.memory_space<vmem>> -> memref<1x128x128xf32, #tpu.memory_space<vmem>>
          %dma_start3A_268 = tpu.memref_squeeze %dma_start3A_267 : memref<1x128x128xf32, #tpu.memory_space<vmem>> -> memref<128x128xf32, #tpu.memory_space<vmem>>
          %dma_start3A_269 = arith.constant 0 : i32
          %dma_start3A_270 = arith.constant 0 : i32
          %dma_start3A_271 = tpu.memref_slice %run_scoped3A[%rem3A_195, %dma_start3A_269, %dma_start3A_270] : memref<2x1x128xi32, #tpu.memory_space<vmem>> -> memref<1x1x128xi32, #tpu.memory_space<vmem>>
          %dma_start3A_272 = tpu.memref_squeeze %dma_start3A_271 : memref<1x1x128xi32, #tpu.memory_space<vmem>> -> memref<1x128xi32, #tpu.memory_space<vmem>>
          %dma_start3A_273 = arith.constant 0 : i32
          %dma_start3A_274 = tpu.memref_slice %dma_start3A_272[%run_scoped3A_198, %dma_start3A_273] : memref<1x128xi32, #tpu.memory_space<vmem>> -> memref<1x128xi32, #tpu.memory_space<vmem>>
          %dma_start3A_275 = tpu.memref_squeeze %dma_start3A_274 : memref<1x128xi32, #tpu.memory_space<vmem>> -> memref<128xi32, #tpu.memory_space<vmem>>
          %dma_start3A_276 = arith.constant 0 : i32
          %dma_start3A_277 = arith.constant 0 : i32
          %dma_start3A_278 = tpu.memref_slice %arg2[%dma_start3A_276, %dma_start3A_277] : memref<10000x128xf32, #tpu.memory_space<hbm>> -> memref<10000x128xf32, #tpu.memory_space<hbm>>
          tpu.enqueue_indirect_dma source(%dma_start3A_278 : memref<10000x128xf32, #tpu.memory_space<hbm>>) target(%dma_start3A_268 : memref<128x128xf32, #tpu.memory_space<vmem>>) offsets(%dma_start3A_275 : memref<128xi32, #tpu.memory_space<vmem>>) semaphore(%run_scoped3A_264 : memref<!tpu.dma_semaphore, #tpu.memory_space<semaphore_mem>>)
          %dma_wait3A_279 = arith.constant 0 : i32
          %dma_wait3A_280 = arith.constant 0 : i32
          %dma_wait3A_281 = tpu.memref_slice %run_scoped3A_8[%rem3A_197, %dma_wait3A_279, %dma_wait3A_280] : memref<2x128x128xf32, #tpu.memory_space<vmem>> -> memref<1x128x128xf32, #tpu.memory_space<vmem>>
          %dma_wait3A_282 = tpu.memref_squeeze %dma_wait3A_281 : memref<1x128x128xf32, #tpu.memory_space<vmem>> -> memref<128x128xf32, #tpu.memory_space<vmem>>
          %dma_wait3A_283 = arith.constant 0 : i32
          %dma_wait3A_284 = arith.constant 0 : i32
          %dma_wait3A_285 = tpu.memref_slice %run_scoped3A[%rem3A_195, %dma_wait3A_283, %dma_wait3A_284] : memref<2x1x128xi32, #tpu.memory_space<vmem>> -> memref<1x1x128xi32, #tpu.memory_space<vmem>>
          %dma_wait3A_286 = tpu.memref_squeeze %dma_wait3A_285 : memref<1x1x128xi32, #tpu.memory_space<vmem>> -> memref<1x128xi32, #tpu.memory_space<vmem>>
          %dma_wait3A_287 = arith.constant 0 : i32
          %dma_wait3A_288 = tpu.memref_slice %dma_wait3A_286[%run_scoped3A_198, %dma_wait3A_287] : memref<1x128xi32, #tpu.memory_space<vmem>> -> memref<1x128xi32, #tpu.memory_space<vmem>>
          %dma_wait3A_289 = tpu.memref_squeeze %dma_wait3A_288 : memref<1x128xi32, #tpu.memory_space<vmem>> -> memref<128xi32, #tpu.memory_space<vmem>>
          %dma_wait3A_290 = arith.constant 0 : i32
          %dma_wait3A_291 = arith.constant 0 : i32
          %dma_wait3A_292 = tpu.memref_slice %arg2[%dma_wait3A_290, %dma_wait3A_291] : memref<10000x128xf32, #tpu.memory_space<hbm>> -> memref<10000x128xf32, #tpu.memory_space<hbm>>
          tpu.wait_indirect_dma semaphore(%run_scoped3A_264 : memref<!tpu.dma_semaphore, #tpu.memory_space<semaphore_mem>>) src(%dma_wait3A_292 : memref<10000x128xf32, #tpu.memory_space<hbm>>) dst(%dma_wait3A_282 : memref<128x128xf32, #tpu.memory_space<vmem>>)
          tpu.yield
        }) : () -> ()
        "tpu.trace_stop"() : () -> ()
        %ne3A_199 = arith.cmpi ne, %add3A_131, %add3A_149 : i32
        %or3A_200 = arith.constant false
        %or3A_201 = arith.ori %or3A_200, %ne3A_199 : i1
        %or3A_202 = arith.ori %or3A_201, %eq3A_130 : i1
        %convert_element_type3A_203 = arith.extui %or3A_202 : i1 to i32
        %cond3A_204 = arith.constant 0 : i32
        %cond3A_205 = arith.cmpi ne, %convert_element_type3A_203, %cond3A_204 : i32
        scf.if %cond3A_205 {
        } else {
        }
        %and3A_206 = arith.constant false
        %and3A_207 = arith.andi %or3A_202, %and3A_206 : i1
        %ne3A_208 = arith.cmpi ne, %add3A_131, %add3A_149 : i32
        %or3A_209 = arith.constant false
        %or3A_210 = arith.ori %or3A_209, %ne3A_208 : i1
        %or3A_211 = arith.constant false
        %or3A_212 = arith.ori %or3A_210, %or3A_211 : i1
        %or3A_213 = arith.ori %or3A_212, %eq3A_130 : i1
        %convert_element_type3A_214 = arith.extui %or3A_213 : i1 to i32
        %cond3A_215 = arith.constant 0 : i32
        %cond3A_216 = arith.cmpi ne, %convert_element_type3A_214, %cond3A_215 : i32
        scf.if %cond3A_216 {
          "tpu.trace_start"() <{level = 10 : i32, message = "ep_copy_out"}> : () -> ()
          %rem3A_264 = arith.constant 2 : i32
          %rem3A_265 = arith.remui %scan3A_124, %rem3A_264 : i32
          %mul3A_266 = arith.constant 128 : i32
          %mul3A_267 = arith.muli %mul3A_266, %add3A_131 : i32
          %dma_start3A_268 = arith.constant 0 : i32
          %dma_start3A_269 = arith.constant 0 : i32
          %dma_start3A_270 = tpu.memref_slice %run_scoped3A_8[%rem3A_265, %dma_start3A_268, %dma_start3A_269] : memref<2x128x128xf32, #tpu.memory_space<vmem>> -> memref<1x128x128xf32, #tpu.memory_space<vmem>>
          %dma_start3A_271 = tpu.memref_squeeze %dma_start3A_270 : memref<1x128x128xf32, #tpu.memory_space<vmem>> -> memref<128x128xf32, #tpu.memory_space<vmem>>
          %dma_start3A_272 = arith.constant 0 : i32
          %dma_start3A_273 = tpu.memref_slice %arg4[%mul3A_267, %dma_start3A_272] : memref<102400x128xf32, #tpu.memory_space<hbm>> -> memref<128x128xf32, #tpu.memory_space<hbm>>
          %dma_start3A_274 = tpu.memref_slice %run_scoped3A_9[%rem3A_265] : memref<2x!tpu.dma_semaphore, #tpu.memory_space<semaphore_mem>> -> memref<1x!tpu.dma_semaphore, #tpu.memory_space<semaphore_mem>>
          %dma_start3A_275 = tpu.memref_squeeze %dma_start3A_274 : memref<1x!tpu.dma_semaphore, #tpu.memory_space<semaphore_mem>> -> memref<!tpu.dma_semaphore, #tpu.memory_space<semaphore_mem>>
          %dma_start3A_276 = arith.constant 0 : i32
          %dma_start3A_277 = tpu.memref_slice %arg4[%mul3A_267, %dma_start3A_276] : memref<102400x128xf32, #tpu.memory_space<hbm>> -> memref<128x128xf32, #tpu.memory_space<hbm>>
          %dma_start3A_278 = arith.constant 0 : i32
          %dma_start3A_279 = arith.constant 0 : i32
          %dma_start3A_280 = tpu.memref_slice %run_scoped3A_8[%rem3A_265, %dma_start3A_278, %dma_start3A_279] : memref<2x128x128xf32, #tpu.memory_space<vmem>> -> memref<1x128x128xf32, #tpu.memory_space<vmem>>
          %dma_start3A_281 = tpu.memref_squeeze %dma_start3A_280 : memref<1x128x128xf32, #tpu.memory_space<vmem>> -> memref<128x128xf32, #tpu.memory_space<vmem>>
          tpu.enqueue_dma source(%dma_start3A_281 : memref<128x128xf32, #tpu.memory_space<vmem>>) target(%dma_start3A_277 : memref<128x128xf32, #tpu.memory_space<hbm>>) target_semaphore(%dma_start3A_275 : memref<!tpu.dma_semaphore, #tpu.memory_space<semaphore_mem>>)
          "tpu.trace_stop"() : () -> ()
        } else {
        }
        %and3A_217 = arith.constant true
        %and3A_218 = arith.andi %or3A_213, %and3A_217 : i1
        %add3A_219 = arith.constant 1 : i32
        %add3A_220 = arith.addi %scan3A_124, %add3A_219 : i32
        %select_n3A_221 = arith.select %and3A_218, %add3A_220, %scan3A_124 : i32
        %ne3A_222 = arith.cmpi ne, %add3A_131, %add3A_140 : i32
        %or3A_223 = arith.constant false
        %or3A_224 = arith.ori %or3A_223, %ne3A_222 : i1
        %not3A_225 = arith.constant true
        %not3A_226 = arith.xori %eq3A_128, %not3A_225 : i1
        %and3A_227 = arith.andi %or3A_224, %not3A_226 : i1
        %convert_element_type3A_228 = arith.extui %and3A_227 : i1 to i32
        %cond3A_229 = arith.constant 0 : i32
        %cond3A_230 = arith.cmpi ne, %convert_element_type3A_228, %cond3A_229 : i32
        scf.if %cond3A_230 {
        } else {
        }
        %and3A_231 = arith.constant false
        %and3A_232 = arith.andi %and3A_227, %and3A_231 : i1
        %ne3A_233 = arith.cmpi ne, %add3A_131, %add3A_140 : i32
        %or3A_234 = arith.constant false
        %or3A_235 = arith.ori %or3A_234, %ne3A_233 : i1
        %or3A_236 = arith.constant false
        %or3A_237 = arith.ori %or3A_235, %or3A_236 : i1
        %not3A_238 = arith.constant true
        %not3A_239 = arith.xori %eq3A_128, %not3A_238 : i1
        %and3A_240 = arith.andi %or3A_237, %not3A_239 : i1
        %convert_element_type3A_241 = arith.extui %and3A_240 : i1 to i32
        %cond3A_242 = arith.constant 0 : i32
        %cond3A_243 = arith.cmpi ne, %convert_element_type3A_241, %cond3A_242 : i32
        scf.if %cond3A_243 {
          "tpu.trace_start"() <{level = 10 : i32, message = "ep_wait_out"}> : () -> ()
          %rem3A_264 = arith.constant 2 : i32
          %rem3A_265 = arith.remui %scan3A_125, %rem3A_264 : i32
          %mul3A_266 = arith.constant 128 : i32
          %mul3A_267 = arith.muli %mul3A_266, %add3A_140 : i32
          %dma_wait3A_268 = arith.constant 0 : i32
          %dma_wait3A_269 = arith.constant 0 : i32
          %dma_wait3A_270 = tpu.memref_slice %run_scoped3A_8[%rem3A_265, %dma_wait3A_268, %dma_wait3A_269] : memref<2x128x128xf32, #tpu.memory_space<vmem>> -> memref<1x128x128xf32, #tpu.memory_space<vmem>>
          %dma_wait3A_271 = tpu.memref_squeeze %dma_wait3A_270 : memref<1x128x128xf32, #tpu.memory_space<vmem>> -> memref<128x128xf32, #tpu.memory_space<vmem>>
          %dma_wait3A_272 = arith.constant 0 : i32
          %dma_wait3A_273 = tpu.memref_slice %arg4[%mul3A_267, %dma_wait3A_272] : memref<102400x128xf32, #tpu.memory_space<hbm>> -> memref<128x128xf32, #tpu.memory_space<hbm>>
          %dma_wait3A_274 = tpu.memref_slice %run_scoped3A_9[%rem3A_265] : memref<2x!tpu.dma_semaphore, #tpu.memory_space<semaphore_mem>> -> memref<1x!tpu.dma_semaphore, #tpu.memory_space<semaphore_mem>>
          %dma_wait3A_275 = tpu.memref_squeeze %dma_wait3A_274 : memref<1x!tpu.dma_semaphore, #tpu.memory_space<semaphore_mem>> -> memref<!tpu.dma_semaphore, #tpu.memory_space<semaphore_mem>>
          %dma_wait3A_276 = arith.constant 0 : i32
          %dma_wait3A_277 = tpu.memref_slice %arg4[%mul3A_267, %dma_wait3A_276] : memref<102400x128xf32, #tpu.memory_space<hbm>> -> memref<128x128xf32, #tpu.memory_space<hbm>>
          %dma_wait3A_278 = arith.constant 0 : i32
          %dma_wait3A_279 = arith.constant 0 : i32
          %dma_wait3A_280 = tpu.memref_slice %run_scoped3A_8[%rem3A_265, %dma_wait3A_278, %dma_wait3A_279] : memref<2x128x128xf32, #tpu.memory_space<vmem>> -> memref<1x128x128xf32, #tpu.memory_space<vmem>>
          %dma_wait3A_281 = tpu.memref_squeeze %dma_wait3A_280 : memref<1x128x128xf32, #tpu.memory_space<vmem>> -> memref<128x128xf32, #tpu.memory_space<vmem>>
          tpu.wait_dma2 semaphore(%dma_wait3A_275 : memref<!tpu.dma_semaphore, #tpu.memory_space<semaphore_mem>>) src(%dma_wait3A_281 : memref<128x128xf32, #tpu.memory_space<vmem>>) dst(%dma_wait3A_277 : memref<128x128xf32, #tpu.memory_space<hbm>>)
          "tpu.trace_stop"() : () -> ()
        } else {
        }
        %and3A_244 = arith.constant true
        %and3A_245 = arith.andi %and3A_240, %and3A_244 : i1
        %add3A_246 = arith.constant 1 : i32
        %add3A_247 = arith.addi %scan3A_125, %add3A_246 : i32
        %select_n3A_248 = arith.select %and3A_245, %add3A_247, %scan3A_125 : i32
        %ne3A_249 = arith.cmpi ne, %add3A_131, %add3A_149 : i32
        %or3A_250 = arith.constant false
        %or3A_251 = arith.ori %or3A_250, %ne3A_249 : i1
        %or3A_252 = arith.ori %or3A_251, %eq3A_130 : i1
        %add3A_253 = arith.constant 1 : i32
        %add3A_254 = arith.addi %scan3A_123, %add3A_253 : i32
        %select_n3A_255 = arith.select %or3A_252, %add3A_254, %scan3A_123 : i32
        %add3A_256 = arith.constant 1 : i32
        %add3A_257 = arith.addi %scan3A_126, %add3A_256 : i32
        %select_n3A_258 = arith.constant true
        %select_n3A_259 = arith.select %select_n3A_258, %add3A_257, %scan3A_126 : i32
        %eq3A_260 = arith.constant 25 : i32
        %eq3A_261 = arith.cmpi eq, %select_n3A_259, %eq3A_260 : i32
        %select_n3A_262 = arith.constant 0 : i32
        %select_n3A_263 = arith.select %eq3A_261, %select_n3A_262, %select_n3A_259 : i32
        scf.yield %select_n3A_167, %select_n3A_255, %select_n3A_221, %select_n3A_248, %select_n3A_263 : i32, i32, i32, i32, i32
      }
      %scan3A_68 = arith.constant 25 : i32
      %sub3A = arith.constant 1 : i32
      %sub3A_69 = arith.subi %scan3A_67#4, %sub3A : i32
      %select_n3A_70 = arith.constant true
      %select_n3A_71 = arith.select %select_n3A_70, %sub3A_69, %scan3A_67#4 : i32
      %eq3A_72 = arith.constant -1 : i32
      %eq3A_73 = arith.cmpi eq, %select_n3A_71, %eq3A_72 : i32
      %select_n3A_74 = arith.constant 24 : i32
      %select_n3A_75 = arith.select %eq3A_73, %select_n3A_74, %select_n3A_71 : i32
      %add3A_76 = arith.addi %select_n3A_75, %mul3A_6 : i32
      %sub3A_77 = arith.constant 1 : i32
      %sub3A_78 = arith.subi %select_n3A_75, %sub3A_77 : i32
      %select_n3A_79 = arith.constant true
      %select_n3A_80 = arith.select %select_n3A_79, %sub3A_78, %select_n3A_75 : i32
      %eq3A_81 = arith.constant -1 : i32
      %eq3A_82 = arith.cmpi eq, %select_n3A_80, %eq3A_81 : i32
      %select_n3A_83 = arith.constant 24 : i32
      %select_n3A_84 = arith.select %eq3A_82, %select_n3A_83, %select_n3A_80 : i32
      %add3A_85 = arith.addi %select_n3A_84, %mul3A_6 : i32
      %add3A_86 = arith.constant 1 : i32
      %add3A_87 = arith.addi %select_n3A_75, %add3A_86 : i32
      %select_n3A_88 = arith.constant true
      %select_n3A_89 = arith.select %select_n3A_88, %add3A_87, %select_n3A_75 : i32
      %eq3A_90 = arith.constant 25 : i32
      %eq3A_91 = arith.cmpi eq, %select_n3A_89, %eq3A_90 : i32
      %select_n3A_92 = arith.constant 0 : i32
      %select_n3A_93 = arith.select %eq3A_91, %select_n3A_92, %select_n3A_89 : i32
      %add3A_94 = arith.addi %select_n3A_93, %mul3A_6 : i32
      %add3A_95 = arith.constant 1 : i32
      %add3A_96 = arith.addi %select_n3A_93, %add3A_95 : i32
      %select_n3A_97 = arith.constant true
      %select_n3A_98 = arith.select %select_n3A_97, %add3A_96, %select_n3A_93 : i32
      %eq3A_99 = arith.constant 25 : i32
      %eq3A_100 = arith.cmpi eq, %select_n3A_98, %eq3A_99 : i32
      %select_n3A_101 = arith.constant 0 : i32
      %select_n3A_102 = arith.select %eq3A_100, %select_n3A_101, %select_n3A_98 : i32
      %add3A_103 = arith.addi %select_n3A_102, %mul3A_6 : i32
      "tpu.trace_start"() <{level = 10 : i32, message = "ep_finalize"}> : () -> ()
      %rem3A_104 = arith.constant 2 : i32
      %rem3A_105 = arith.remui %scan3A_67#3, %rem3A_104 : i32
      %mul3A_106 = arith.constant 128 : i32
      %mul3A_107 = arith.muli %mul3A_106, %add3A_76 : i32
      %dma_wait3A = arith.constant 0 : i32
      %dma_wait3A_108 = arith.constant 0 : i32
      %dma_wait3A_109 = tpu.memref_slice %run_scoped3A_8[%rem3A_105, %dma_wait3A, %dma_wait3A_108] : memref<2x128x128xf32, #tpu.memory_space<vmem>> -> memref<1x128x128xf32, #tpu.memory_space<vmem>>
      %dma_wait3A_110 = tpu.memref_squeeze %dma_wait3A_109 : memref<1x128x128xf32, #tpu.memory_space<vmem>> -> memref<128x128xf32, #tpu.memory_space<vmem>>
      %dma_wait3A_111 = arith.constant 0 : i32
      %dma_wait3A_112 = tpu.memref_slice %arg4[%mul3A_107, %dma_wait3A_111] : memref<102400x128xf32, #tpu.memory_space<hbm>> -> memref<128x128xf32, #tpu.memory_space<hbm>>
      %dma_wait3A_113 = tpu.memref_slice %run_scoped3A_9[%rem3A_105] : memref<2x!tpu.dma_semaphore, #tpu.memory_space<semaphore_mem>> -> memref<1x!tpu.dma_semaphore, #tpu.memory_space<semaphore_mem>>
      %dma_wait3A_114 = tpu.memref_squeeze %dma_wait3A_113 : memref<1x!tpu.dma_semaphore, #tpu.memory_space<semaphore_mem>> -> memref<!tpu.dma_semaphore, #tpu.memory_space<semaphore_mem>>
      %dma_wait3A_115 = arith.constant 0 : i32
      %dma_wait3A_116 = tpu.memref_slice %arg4[%mul3A_107, %dma_wait3A_115] : memref<102400x128xf32, #tpu.memory_space<hbm>> -> memref<128x128xf32, #tpu.memory_space<hbm>>
      %dma_wait3A_117 = arith.constant 0 : i32
      %dma_wait3A_118 = arith.constant 0 : i32
      %dma_wait3A_119 = tpu.memref_slice %run_scoped3A_8[%rem3A_105, %dma_wait3A_117, %dma_wait3A_118] : memref<2x128x128xf32, #tpu.memory_space<vmem>> -> memref<1x128x128xf32, #tpu.memory_space<vmem>>
      %dma_wait3A_120 = tpu.memref_squeeze %dma_wait3A_119 : memref<1x128x128xf32, #tpu.memory_space<vmem>> -> memref<128x128xf32, #tpu.memory_space<vmem>>
      tpu.wait_dma2 semaphore(%dma_wait3A_114 : memref<!tpu.dma_semaphore, #tpu.memory_space<semaphore_mem>>) src(%dma_wait3A_120 : memref<128x128xf32, #tpu.memory_space<vmem>>) dst(%dma_wait3A_116 : memref<128x128xf32, #tpu.memory_space<hbm>>)
      "tpu.trace_stop"() : () -> ()
      tpu.yield
    }) : () -> ()
    return
  }
}

#map = affine_map<(d0, d1) -> (0, 0)>
module attributes {stable_mosaic.version = 14 : i64} {
  func.func @gather_kernel(%arg0: i32, %arg1: i32, %arg2: memref<10000x128xf32, #tpu.memory_space<hbm>>, %arg3: memref<1x102400xi32, #tpu.memory_space<hbm>>, %arg4: memref<102400x128xf32, #tpu.memory_space<hbm>>) attributes {dimension_semantics = [#tpu.dimension_semantics<core_parallel>, #tpu.dimension_semantics<subcore_parallel>], iteration_bounds = array<i64: 2, 16>, scalar_prefetch = 0 : i64, scratch_operands = 0 : i64, tpu.core_type = #tpu.core_type<sc_vector_subcore>, window_params = [{transform_indices = #map}, {transform_indices = #map}, {transform_indices = #map}]} {
    %mul3A = arith.constant 1 : i32
    %mul3A_0 = arith.muli %arg1, %mul3A : i32
    %add3A = arith.constant 0 : i32
    %add3A_1 = arith.addi %add3A, %mul3A_0 : i32
    %mul3A_2 = arith.constant 16 : i32
    %mul3A_3 = arith.muli %arg0, %mul3A_2 : i32
    %add3A_4 = arith.addi %add3A_1, %mul3A_3 : i32
    %mul3A_5 = arith.constant 25 : i32
    %mul3A_6 = arith.muli %add3A_4, %mul3A_5 : i32
    "tpu.region"() ({
      %run_scoped3A = memref.alloca() : memref<2x1x128xi32, #tpu.memory_space<vmem>>
      %run_scoped3A_7 = tpu.sem_alloc : memref<2x!tpu.dma_semaphore, #tpu.memory_space<semaphore_mem>>
      %run_scoped3A_8 = memref.alloca() : memref<2x128x128xf32, #tpu.memory_space<vmem>>
      %run_scoped3A_9 = tpu.sem_alloc : memref<2x!tpu.dma_semaphore, #tpu.memory_space<semaphore_mem>>
      %add3A_10 = arith.constant 0 : i32
      %add3A_11 = arith.addi %add3A_10, %mul3A_6 : i32
      %select_n3A = arith.constant true
      %select_n3A_12 = arith.constant 0 : i32
      %select_n3A_13 = arith.constant -1 : i32
      %select_n3A_14 = arith.select %select_n3A, %select_n3A_13, %select_n3A_12 : i32
      %eq3A = arith.constant -1 : i32
      %eq3A_15 = arith.cmpi eq, %select_n3A_14, %eq3A : i32
      %select_n3A_16 = arith.constant 24 : i32
      %select_n3A_17 = arith.select %eq3A_15, %select_n3A_16, %select_n3A_14 : i32
      %add3A_18 = arith.addi %select_n3A_17, %mul3A_6 : i32
      %select_n3A_19 = arith.constant true
      %select_n3A_20 = arith.constant 0 : i32
      %select_n3A_21 = arith.constant 1 : i32
      %select_n3A_22 = arith.select %select_n3A_19, %select_n3A_21, %select_n3A_20 : i32
      %eq3A_23 = arith.constant 25 : i32
      %eq3A_24 = arith.cmpi eq, %select_n3A_22, %eq3A_23 : i32
      %select_n3A_25 = arith.constant 0 : i32
      %select_n3A_26 = arith.select %eq3A_24, %select_n3A_25, %select_n3A_22 : i32
      %add3A_27 = arith.addi %select_n3A_26, %mul3A_6 : i32
      %add3A_28 = arith.constant 1 : i32
      %add3A_29 = arith.addi %select_n3A_26, %add3A_28 : i32
      %select_n3A_30 = arith.constant true
      %select_n3A_31 = arith.select %select_n3A_30, %add3A_29, %select_n3A_26 : i32
      %eq3A_32 = arith.constant 25 : i32
      %eq3A_33 = arith.cmpi eq, %select_n3A_31, %eq3A_32 : i32
      %select_n3A_34 = arith.constant 0 : i32
      %select_n3A_35 = arith.select %eq3A_33, %select_n3A_34, %select_n3A_31 : i32
      %add3A_36 = arith.addi %select_n3A_35, %mul3A_6 : i32
      "tpu.trace_start"() <{level = 10 : i32, message = "ep_initialize_0"}> : () -> ()
      %rem3A = arith.constant 0 : i32
      %rem3A_37 = arith.constant 2 : i32
      %rem3A_38 = arith.remui %rem3A, %rem3A_37 : i32
      %mul3A_39 = arith.constant 128 : i32
      %mul3A_40 = arith.muli %mul3A_39, %add3A_11 : i32
      %dma_start3A = arith.constant 0 : i32
      %dma_start3A_41 = arith.constant 0 : i32
      %dma_start3A_42 = tpu.memref_slice %run_scoped3A[%rem3A_38, %dma_start3A, %dma_start3A_41] : memref<2x1x128xi32, #tpu.memory_space<vmem>> -> memref<1x1x128xi32, #tpu.memory_space<vmem>>
      %dma_start3A_43 = tpu.memref_squeeze %dma_start3A_42 : memref<1x1x128xi32, #tpu.memory_space<vmem>> -> memref<1x128xi32, #tpu.memory_space<vmem>>
      %dma_start3A_44 = arith.constant 0 : i32
      %dma_start3A_45 = tpu.memref_slice %arg3[%dma_start3A_44, %mul3A_40] : memref<1x102400xi32, #tpu.memory_space<hbm>> -> memref<1x128xi32, #tpu.memory_space<hbm>>
      %dma_start3A_46 = tpu.memref_slice %run_scoped3A_7[%rem3A_38] : memref<2x!tpu.dma_semaphore, #tpu.memory_space<semaphore_mem>> -> memref<1x!tpu.dma_semaphore, #tpu.memory_space<semaphore_mem>>
      %dma_start3A_47 = tpu.memref_squeeze %dma_start3A_46 : memref<1x!tpu.dma_semaphore, #tpu.memory_space<semaphore_mem>> -> memref<!tpu.dma_semaphore, #tpu.memory_space<semaphore_mem>>
      %dma_start3A_48 = arith.constant 0 : i32
      %dma_start3A_49 = arith.constant 0 : i32
      %dma_start3A_50 = tpu.memref_slice %run_scoped3A[%rem3A_38, %dma_start3A_48, %dma_start3A_49] : memref<2x1x128xi32, #tpu.memory_space<vmem>> -> memref<1x1x128xi32, #tpu.memory_space<vmem>>
      %dma_start3A_51 = tpu.memref_squeeze %dma_start3A_50 : memref<1x1x128xi32, #tpu.memory_space<vmem>> -> memref<1x128xi32, #tpu.memory_space<vmem>>
      %dma_start3A_52 = arith.constant 0 : i32
      %dma_start3A_53 = tpu.memref_slice %arg3[%dma_start3A_52, %mul3A_40] : memref<1x102400xi32, #tpu.memory_space<hbm>> -> memref<1x128xi32, #tpu.memory_space<hbm>>
      tpu.enqueue_dma source(%dma_start3A_53 : memref<1x128xi32, #tpu.memory_space<hbm>>) target(%dma_start3A_51 : memref<1x128xi32, #tpu.memory_space<vmem>>) target_semaphore(%dma_start3A_47 : memref<!tpu.dma_semaphore, #tpu.memory_space<semaphore_mem>>)
      %add3A_54 = arith.constant 0 : i32
      %add3A_55 = arith.constant 1 : i32
      %add3A_56 = arith.addi %add3A_54, %add3A_55 : i32
      %select_n3A_57 = arith.constant true
      %select_n3A_58 = arith.constant 0 : i32
      %select_n3A_59 = arith.select %select_n3A_57, %add3A_56, %select_n3A_58 : i32
      "tpu.trace_stop"() : () -> ()
      %scan3A = arith.constant 0 : i32
      %scan3A_60 = arith.constant 0 : i32
      %scan3A_61 = arith.constant 0 : i32
      %scan3A_62 = arith.constant 0 : i32
      %scan3A_63 = arith.constant 0 : i32
      %scan3A_64 = arith.constant 25 : i32
      %scan3A_65 = arith.addi %scan3A_63, %scan3A_64 : i32
      %scan3A_66 = arith.constant 1 : i32
      %scan3A_67:5 = scf.for %scan3A_121 = %scan3A_63 to %scan3A_65 step %scan3A_66 iter_args(%scan3A_122 = %select_n3A_59, %scan3A_123 = %scan3A, %scan3A_124 = %scan3A_60, %scan3A_125 = %scan3A_61, %scan3A_126 = %scan3A_62) -> (i32, i32, i32, i32, i32)  : i32 {
        %eq3A_127 = arith.constant 0 : i32
        %eq3A_128 = arith.cmpi eq, %scan3A_121, %eq3A_127 : i32
        %eq3A_129 = arith.constant 24 : i32
        %eq3A_130 = arith.cmpi eq, %scan3A_121, %eq3A_129 : i32
        %add3A_131 = arith.addi %scan3A_126, %mul3A_6 : i32
        %sub3A_132 = arith.constant 1 : i32
        %sub3A_133 = arith.subi %scan3A_126, %sub3A_132 : i32
        %select_n3A_134 = arith.constant true
        %select_n3A_135 = arith.select %select_n3A_134, %sub3A_133, %scan3A_126 : i32
        %eq3A_136 = arith.constant -1 : i32
        %eq3A_137 = arith.cmpi eq, %select_n3A_135, %eq3A_136 : i32
        %select_n3A_138 = arith.constant 24 : i32
        %select_n3A_139 = arith.select %eq3A_137, %select_n3A_138, %select_n3A_135 : i32
        %add3A_140 = arith.addi %select_n3A_139, %mul3A_6 : i32
        %add3A_141 = arith.constant 1 : i32
        %add3A_142 = arith.addi %scan3A_126, %add3A_141 : i32
        %select_n3A_143 = arith.constant true
        %select_n3A_144 = arith.select %select_n3A_143, %add3A_142, %scan3A_126 : i32
        %eq3A_145 = arith.constant 25 : i32
        %eq3A_146 = arith.cmpi eq, %select_n3A_144, %eq3A_145 : i32
        %select_n3A_147 = arith.constant 0 : i32
        %select_n3A_148 = arith.select %eq3A_146, %select_n3A_147, %select_n3A_144 : i32
        %add3A_149 = arith.addi %select_n3A_148, %mul3A_6 : i32
        %add3A_150 = arith.constant 1 : i32
        %add3A_151 = arith.addi %select_n3A_148, %add3A_150 : i32
        %select_n3A_152 = arith.constant true
        %select_n3A_153 = arith.select %select_n3A_152, %add3A_151, %select_n3A_148 : i32
        %eq3A_154 = arith.constant 25 : i32
        %eq3A_155 = arith.cmpi eq, %select_n3A_153, %eq3A_154 : i32
        %select_n3A_156 = arith.constant 0 : i32
        %select_n3A_157 = arith.select %eq3A_155, %select_n3A_156, %select_n3A_153 : i32
        %add3A_158 = arith.addi %select_n3A_157, %mul3A_6 : i32
        %ne3A = arith.cmpi ne, %add3A_131, %add3A_149 : i32
        %or3A = arith.constant false
        %or3A_159 = arith.ori %or3A, %ne3A : i1
        %ge3A = arith.constant 24 : i32
        %ge3A_160 = arith.cmpi sge, %scan3A_121, %ge3A : i32
        %not3A = arith.constant true
        %not3A_161 = arith.xori %ge3A_160, %not3A : i1
        %and3A = arith.andi %or3A_159, %not3A_161 : i1
        %convert_element_type3A = arith.extui %and3A : i1 to i32
        %cond3A = arith.constant 0 : i32
        %cond3A_162 = arith.cmpi ne, %convert_element_type3A, %cond3A : i32
        scf.if %cond3A_162 {
          "tpu.trace_start"() <{level = 10 : i32, message = "ep_copy_in"}> : () -> ()
          %rem3A_264 = arith.constant 2 : i32
          %rem3A_265 = arith.remui %scan3A_122, %rem3A_264 : i32
          %mul3A_266 = arith.constant 128 : i32
          %mul3A_267 = arith.muli %mul3A_266, %add3A_149 : i32
          %dma_start3A_268 = arith.constant 0 : i32
          %dma_start3A_269 = arith.constant 0 : i32
          %dma_start3A_270 = tpu.memref_slice %run_scoped3A[%rem3A_265, %dma_start3A_268, %dma_start3A_269] : memref<2x1x128xi32, #tpu.memory_space<vmem>> -> memref<1x1x128xi32, #tpu.memory_space<vmem>>
          %dma_start3A_271 = tpu.memref_squeeze %dma_start3A_270 : memref<1x1x128xi32, #tpu.memory_space<vmem>> -> memref<1x128xi32, #tpu.memory_space<vmem>>
          %dma_start3A_272 = arith.constant 0 : i32
          %dma_start3A_273 = tpu.memref_slice %arg3[%dma_start3A_272, %mul3A_267] : memref<1x102400xi32, #tpu.memory_space<hbm>> -> memref<1x128xi32, #tpu.memory_space<hbm>>
          %dma_start3A_274 = tpu.memref_slice %run_scoped3A_7[%rem3A_265] : memref<2x!tpu.dma_semaphore, #tpu.memory_space<semaphore_mem>> -> memref<1x!tpu.dma_semaphore, #tpu.memory_space<semaphore_mem>>
          %dma_start3A_275 = tpu.memref_squeeze %dma_start3A_274 : memref<1x!tpu.dma_semaphore, #tpu.memory_space<semaphore_mem>> -> memref<!tpu.dma_semaphore, #tpu.memory_space<semaphore_mem>>
          %dma_start3A_276 = arith.constant 0 : i32
          %dma_start3A_277 = arith.constant 0 : i32
          %dma_start3A_278 = tpu.memref_slice %run_scoped3A[%rem3A_265, %dma_start3A_276, %dma_start3A_277] : memref<2x1x128xi32, #tpu.memory_space<vmem>> -> memref<1x1x128xi32, #tpu.memory_space<vmem>>
          %dma_start3A_279 = tpu.memref_squeeze %dma_start3A_278 : memref<1x1x128xi32, #tpu.memory_space<vmem>> -> memref<1x128xi32, #tpu.memory_space<vmem>>
          %dma_start3A_280 = arith.constant 0 : i32
          %dma_start3A_281 = tpu.memref_slice %arg3[%dma_start3A_280, %mul3A_267] : memref<1x102400xi32, #tpu.memory_space<hbm>> -> memref<1x128xi32, #tpu.memory_space<hbm>>
          tpu.enqueue_dma source(%dma_start3A_281 : memref<1x128xi32, #tpu.memory_space<hbm>>) target(%dma_start3A_279 : memref<1x128xi32, #tpu.memory_space<vmem>>) target_semaphore(%dma_start3A_275 : memref<!tpu.dma_semaphore, #tpu.memory_space<semaphore_mem>>)
          "tpu.trace_stop"() : () -> ()
        } else {
        }
        %and3A_163 = arith.constant true
        %and3A_164 = arith.andi %and3A, %and3A_163 : i1
        %add3A_165 = arith.constant 1 : i32
        %add3A_166 = arith.addi %scan3A_122, %add3A_165 : i32
        %select_n3A_167 = arith.select %and3A_164, %add3A_166, %scan3A_122 : i32
        %ne3A_168 = arith.cmpi ne, %add3A_131, %add3A_149 : i32
        %or3A_169 = arith.constant false
        %or3A_170 = arith.ori %or3A_169, %ne3A_168 : i1
        %or3A_171 = arith.constant false
        %or3A_172 = arith.ori %or3A_170, %or3A_171 : i1
        %ge3A_173 = arith.constant 24 : i32
        %ge3A_174 = arith.cmpi sge, %scan3A_121, %ge3A_173 : i32
        %not3A_175 = arith.constant true
        %not3A_176 = arith.xori %ge3A_174, %not3A_175 : i1
        %and3A_177 = arith.andi %or3A_172, %not3A_176 : i1
        %ne3A_178 = arith.cmpi ne, %add3A_131, %add3A_140 : i32
        %or3A_179 = arith.constant false
        %or3A_180 = arith.ori %or3A_179, %ne3A_178 : i1
        %or3A_181 = arith.ori %or3A_180, %eq3A_128 : i1
        %convert_element_type3A_182 = arith.extui %or3A_181 : i1 to i32
        %cond3A_183 = arith.constant 0 : i32
        %cond3A_184 = arith.cmpi ne, %convert_element_type3A_182, %cond3A_183 : i32
        scf.if %cond3A_184 {
          "tpu.trace_start"() <{level = 10 : i32, message = "ep_wait_in"}> : () -> ()
          %mul3A_264 = arith.constant 128 : i32
          %mul3A_265 = arith.muli %mul3A_264, %add3A_131 : i32
          %rem3A_266 = arith.constant 2 : i32
          %rem3A_267 = arith.remui %scan3A_123, %rem3A_266 : i32
          %dma_wait3A_268 = arith.constant 0 : i32
          %dma_wait3A_269 = arith.constant 0 : i32
          %dma_wait3A_270 = tpu.memref_slice %run_scoped3A[%rem3A_267, %dma_wait3A_268, %dma_wait3A_269] : memref<2x1x128xi32, #tpu.memory_space<vmem>> -> memref<1x1x128xi32, #tpu.memory_space<vmem>>
          %dma_wait3A_271 = tpu.memref_squeeze %dma_wait3A_270 : memref<1x1x128xi32, #tpu.memory_space<vmem>> -> memref<1x128xi32, #tpu.memory_space<vmem>>
          %dma_wait3A_272 = arith.constant 0 : i32
          %dma_wait3A_273 = tpu.memref_slice %arg3[%dma_wait3A_272, %mul3A_265] : memref<1x102400xi32, #tpu.memory_space<hbm>> -> memref<1x128xi32, #tpu.memory_space<hbm>>
          %dma_wait3A_274 = tpu.memref_slice %run_scoped3A_7[%rem3A_267] : memref<2x!tpu.dma_semaphore, #tpu.memory_space<semaphore_mem>> -> memref<1x!tpu.dma_semaphore, #tpu.memory_space<semaphore_mem>>
          %dma_wait3A_275 = tpu.memref_squeeze %dma_wait3A_274 : memref<1x!tpu.dma_semaphore, #tpu.memory_space<semaphore_mem>> -> memref<!tpu.dma_semaphore, #tpu.memory_space<semaphore_mem>>
          %dma_wait3A_276 = arith.constant 0 : i32
          %dma_wait3A_277 = arith.constant 0 : i32
          %dma_wait3A_278 = tpu.memref_slice %run_scoped3A[%rem3A_267, %dma_wait3A_276, %dma_wait3A_277] : memref<2x1x128xi32, #tpu.memory_space<vmem>> -> memref<1x1x128xi32, #tpu.memory_space<vmem>>
          %dma_wait3A_279 = tpu.memref_squeeze %dma_wait3A_278 : memref<1x1x128xi32, #tpu.memory_space<vmem>> -> memref<1x128xi32, #tpu.memory_space<vmem>>
          %dma_wait3A_280 = arith.constant 0 : i32
          %dma_wait3A_281 = tpu.memref_slice %arg3[%dma_wait3A_280, %mul3A_265] : memref<1x102400xi32, #tpu.memory_space<hbm>> -> memref<1x128xi32, #tpu.memory_space<hbm>>
          tpu.wait_dma2 semaphore(%dma_wait3A_275 : memref<!tpu.dma_semaphore, #tpu.memory_space<semaphore_mem>>) src(%dma_wait3A_281 : memref<1x128xi32, #tpu.memory_space<hbm>>) dst(%dma_wait3A_279 : memref<1x128xi32, #tpu.memory_space<vmem>>)
          "tpu.trace_stop"() : () -> ()
        } else {
        }
        %ne3A_185 = arith.cmpi ne, %add3A_131, %add3A_140 : i32
        %or3A_186 = arith.constant false
        %or3A_187 = arith.ori %or3A_186, %ne3A_185 : i1
        %or3A_188 = arith.constant false
        %or3A_189 = arith.ori %or3A_187, %or3A_188 : i1
        %or3A_190 = arith.ori %or3A_189, %eq3A_128 : i1
        %convert_element_type3A_191 = arith.extui %or3A_190 : i1 to i32
        %cond3A_192 = arith.constant 0 : i32
        %cond3A_193 = arith.cmpi ne, %convert_element_type3A_191, %cond3A_192 : i32
        scf.if %cond3A_193 {
        } else {
        }
        %rem3A_194 = arith.constant 2 : i32
        %rem3A_195 = arith.remui %scan3A_123, %rem3A_194 : i32
        %rem3A_196 = arith.constant 2 : i32
        %rem3A_197 = arith.remui %scan3A_124, %rem3A_196 : i32
        %run_scoped3A_198 = arith.constant 0 : i32
        "tpu.trace_start"() <{level = 10 : i32, message = "ep_run_kernel"}> : () -> ()
        "tpu.region"() ({
          %run_scoped3A_264 = tpu.sem_alloc : memref<!tpu.dma_semaphore, #tpu.memory_space<semaphore_mem>>
          %dma_start3A_265 = arith.constant 0 : i32
          %dma_start3A_266 = arith.constant 0 : i32
          %dma_start3A_267 = tpu.memref_slice %run_scoped3A_8[%rem3A_197, %dma_start3A_265, %dma_start3A_266] : memref<2x128x128xf32, #tpu.memory_space<vmem>> -> memref<1x128x128xf32, #tpu.memory_space<vmem>>
          %dma_start3A_268 = tpu.memref_squeeze %dma_start3A_267 : memref<1x128x128xf32, #tpu.memory_space<vmem>> -> memref<128x128xf32, #tpu.memory_space<vmem>>
          %dma_start3A_269 = arith.constant 0 : i32
          %dma_start3A_270 = arith.constant 0 : i32
          %dma_start3A_271 = tpu.memref_slice %run_scoped3A[%rem3A_195, %dma_start3A_269, %dma_start3A_270] : memref<2x1x128xi32, #tpu.memory_space<vmem>> -> memref<1x1x128xi32, #tpu.memory_space<vmem>>
          %dma_start3A_272 = tpu.memref_squeeze %dma_start3A_271 : memref<1x1x128xi32, #tpu.memory_space<vmem>> -> memref<1x128xi32, #tpu.memory_space<vmem>>
          %dma_start3A_273 = arith.constant 0 : i32
          %dma_start3A_274 = tpu.memref_slice %dma_start3A_272[%run_scoped3A_198, %dma_start3A_273] : memref<1x128xi32, #tpu.memory_space<vmem>> -> memref<1x128xi32, #tpu.memory_space<vmem>>
          %dma_start3A_275 = tpu.memref_squeeze %dma_start3A_274 : memref<1x128xi32, #tpu.memory_space<vmem>> -> memref<128xi32, #tpu.memory_space<vmem>>
          %dma_start3A_276 = arith.constant 0 : i32
          %dma_start3A_277 = arith.constant 0 : i32
          %dma_start3A_278 = tpu.memref_slice %arg2[%dma_start3A_276, %dma_start3A_277] : memref<10000x128xf32, #tpu.memory_space<hbm>> -> memref<10000x128xf32, #tpu.memory_space<hbm>>
          tpu.enqueue_indirect_dma source(%dma_start3A_278 : memref<10000x128xf32, #tpu.memory_space<hbm>>) target(%dma_start3A_268 : memref<128x128xf32, #tpu.memory_space<vmem>>) offsets(%dma_start3A_275 : memref<128xi32, #tpu.memory_space<vmem>>) semaphore(%run_scoped3A_264 : memref<!tpu.dma_semaphore, #tpu.memory_space<semaphore_mem>>)
          %dma_wait3A_279 = arith.constant 0 : i32
          %dma_wait3A_280 = arith.constant 0 : i32
          %dma_wait3A_281 = tpu.memref_slice %run_scoped3A_8[%rem3A_197, %dma_wait3A_279, %dma_wait3A_280] : memref<2x128x128xf32, #tpu.memory_space<vmem>> -> memref<1x128x128xf32, #tpu.memory_space<vmem>>
          %dma_wait3A_282 = tpu.memref_squeeze %dma_wait3A_281 : memref<1x128x128xf32, #tpu.memory_space<vmem>> -> memref<128x128xf32, #tpu.memory_space<vmem>>
          %dma_wait3A_283 = arith.constant 0 : i32
          %dma_wait3A_284 = arith.constant 0 : i32
          %dma_wait3A_285 = tpu.memref_slice %run_scoped3A[%rem3A_195, %dma_wait3A_283, %dma_wait3A_284] : memref<2x1x128xi32, #tpu.memory_space<vmem>> -> memref<1x1x128xi32, #tpu.memory_space<vmem>>
          %dma_wait3A_286 = tpu.memref_squeeze %dma_wait3A_285 : memref<1x1x128xi32, #tpu.memory_space<vmem>> -> memref<1x128xi32, #tpu.memory_space<vmem>>
          %dma_wait3A_287 = arith.constant 0 : i32
          %dma_wait3A_288 = tpu.memref_slice %dma_wait3A_286[%run_scoped3A_198, %dma_wait3A_287] : memref<1x128xi32, #tpu.memory_space<vmem>> -> memref<1x128xi32, #tpu.memory_space<vmem>>
          %dma_wait3A_289 = tpu.memref_squeeze %dma_wait3A_288 : memref<1x128xi32, #tpu.memory_space<vmem>> -> memref<128xi32, #tpu.memory_space<vmem>>
          %dma_wait3A_290 = arith.constant 0 : i32
          %dma_wait3A_291 = arith.constant 0 : i32
          %dma_wait3A_292 = tpu.memref_slice %arg2[%dma_wait3A_290, %dma_wait3A_291] : memref<10000x128xf32, #tpu.memory_space<hbm>> -> memref<10000x128xf32, #tpu.memory_space<hbm>>
          tpu.wait_indirect_dma semaphore(%run_scoped3A_264 : memref<!tpu.dma_semaphore, #tpu.memory_space<semaphore_mem>>) src(%dma_wait3A_292 : memref<10000x128xf32, #tpu.memory_space<hbm>>) dst(%dma_wait3A_282 : memref<128x128xf32, #tpu.memory_space<vmem>>)
          tpu.yield
        }) : () -> ()
        "tpu.trace_stop"() : () -> ()
        %ne3A_199 = arith.cmpi ne, %add3A_131, %add3A_149 : i32
        %or3A_200 = arith.constant false
        %or3A_201 = arith.ori %or3A_200, %ne3A_199 : i1
        %or3A_202 = arith.ori %or3A_201, %eq3A_130 : i1
        %convert_element_type3A_203 = arith.extui %or3A_202 : i1 to i32
        %cond3A_204 = arith.constant 0 : i32
        %cond3A_205 = arith.cmpi ne, %convert_element_type3A_203, %cond3A_204 : i32
        scf.if %cond3A_205 {
        } else {
        }
        %and3A_206 = arith.constant false
        %and3A_207 = arith.andi %or3A_202, %and3A_206 : i1
        %ne3A_208 = arith.cmpi ne, %add3A_131, %add3A_149 : i32
        %or3A_209 = arith.constant false
        %or3A_210 = arith.ori %or3A_209, %ne3A_208 : i1
        %or3A_211 = arith.constant false
        %or3A_212 = arith.ori %or3A_210, %or3A_211 : i1
        %or3A_213 = arith.ori %or3A_212, %eq3A_130 : i1
        %convert_element_type3A_214 = arith.extui %or3A_213 : i1 to i32
        %cond3A_215 = arith.constant 0 : i32
        %cond3A_216 = arith.cmpi ne, %convert_element_type3A_214, %cond3A_215 : i32
        scf.if %cond3A_216 {
          "tpu.trace_start"() <{level = 10 : i32, message = "ep_copy_out"}> : () -> ()
          %rem3A_264 = arith.constant 2 : i32
          %rem3A_265 = arith.remui %scan3A_124, %rem3A_264 : i32
          %mul3A_266 = arith.constant 128 : i32
          %mul3A_267 = arith.muli %mul3A_266, %add3A_131 : i32
          %dma_start3A_268 = arith.constant 0 : i32
          %dma_start3A_269 = arith.constant 0 : i32
          %dma_start3A_270 = tpu.memref_slice %run_scoped3A_8[%rem3A_265, %dma_start3A_268, %dma_start3A_269] : memref<2x128x128xf32, #tpu.memory_space<vmem>> -> memref<1x128x128xf32, #tpu.memory_space<vmem>>
          %dma_start3A_271 = tpu.memref_squeeze %dma_start3A_270 : memref<1x128x128xf32, #tpu.memory_space<vmem>> -> memref<128x128xf32, #tpu.memory_space<vmem>>
          %dma_start3A_272 = arith.constant 0 : i32
          %dma_start3A_273 = tpu.memref_slice %arg4[%mul3A_267, %dma_start3A_272] : memref<102400x128xf32, #tpu.memory_space<hbm>> -> memref<128x128xf32, #tpu.memory_space<hbm>>
          %dma_start3A_274 = tpu.memref_slice %run_scoped3A_9[%rem3A_265] : memref<2x!tpu.dma_semaphore, #tpu.memory_space<semaphore_mem>> -> memref<1x!tpu.dma_semaphore, #tpu.memory_space<semaphore_mem>>
          %dma_start3A_275 = tpu.memref_squeeze %dma_start3A_274 : memref<1x!tpu.dma_semaphore, #tpu.memory_space<semaphore_mem>> -> memref<!tpu.dma_semaphore, #tpu.memory_space<semaphore_mem>>
          %dma_start3A_276 = arith.constant 0 : i32
          %dma_start3A_277 = tpu.memref_slice %arg4[%mul3A_267, %dma_start3A_276] : memref<102400x128xf32, #tpu.memory_space<hbm>> -> memref<128x128xf32, #tpu.memory_space<hbm>>
          %dma_start3A_278 = arith.constant 0 : i32
          %dma_start3A_279 = arith.constant 0 : i32
          %dma_start3A_280 = tpu.memref_slice %run_scoped3A_8[%rem3A_265, %dma_start3A_278, %dma_start3A_279] : memref<2x128x128xf32, #tpu.memory_space<vmem>> -> memref<1x128x128xf32, #tpu.memory_space<vmem>>
          %dma_start3A_281 = tpu.memref_squeeze %dma_start3A_280 : memref<1x128x128xf32, #tpu.memory_space<vmem>> -> memref<128x128xf32, #tpu.memory_space<vmem>>
          tpu.enqueue_dma source(%dma_start3A_281 : memref<128x128xf32, #tpu.memory_space<vmem>>) target(%dma_start3A_277 : memref<128x128xf32, #tpu.memory_space<hbm>>) target_semaphore(%dma_start3A_275 : memref<!tpu.dma_semaphore, #tpu.memory_space<semaphore_mem>>)
          "tpu.trace_stop"() : () -> ()
        } else {
        }
        %and3A_217 = arith.constant true
        %and3A_218 = arith.andi %or3A_213, %and3A_217 : i1
        %add3A_219 = arith.constant 1 : i32
        %add3A_220 = arith.addi %scan3A_124, %add3A_219 : i32
        %select_n3A_221 = arith.select %and3A_218, %add3A_220, %scan3A_124 : i32
        %ne3A_222 = arith.cmpi ne, %add3A_131, %add3A_140 : i32
        %or3A_223 = arith.constant false
        %or3A_224 = arith.ori %or3A_223, %ne3A_222 : i1
        %not3A_225 = arith.constant true
        %not3A_226 = arith.xori %eq3A_128, %not3A_225 : i1
        %and3A_227 = arith.andi %or3A_224, %not3A_226 : i1
        %convert_element_type3A_228 = arith.extui %and3A_227 : i1 to i32
        %cond3A_229 = arith.constant 0 : i32
        %cond3A_230 = arith.cmpi ne, %convert_element_type3A_228, %cond3A_229 : i32
        scf.if %cond3A_230 {
        } else {
        }
        %and3A_231 = arith.constant false
        %and3A_232 = arith.andi %and3A_227, %and3A_231 : i1
        %ne3A_233 = arith.cmpi ne, %add3A_131, %add3A_140 : i32
        %or3A_234 = arith.constant false
        %or3A_235 = arith.ori %or3A_234, %ne3A_233 : i1
        %or3A_236 = arith.constant false
        %or3A_237 = arith.ori %or3A_235, %or3A_236 : i1
        %not3A_238 = arith.constant true
        %not3A_239 = arith.xori %eq3A_128, %not3A_238 : i1
        %and3A_240 = arith.andi %or3A_237, %not3A_239 : i1
        %convert_element_type3A_241 = arith.extui %and3A_240 : i1 to i32
        %cond3A_242 = arith.constant 0 : i32
        %cond3A_243 = arith.cmpi ne, %convert_element_type3A_241, %cond3A_242 : i32
        scf.if %cond3A_243 {
          "tpu.trace_start"() <{level = 10 : i32, message = "ep_wait_out"}> : () -> ()
          %rem3A_264 = arith.constant 2 : i32
          %rem3A_265 = arith.remui %scan3A_125, %rem3A_264 : i32
          %mul3A_266 = arith.constant 128 : i32
          %mul3A_267 = arith.muli %mul3A_266, %add3A_140 : i32
          %dma_wait3A_268 = arith.constant 0 : i32
          %dma_wait3A_269 = arith.constant 0 : i32
          %dma_wait3A_270 = tpu.memref_slice %run_scoped3A_8[%rem3A_265, %dma_wait3A_268, %dma_wait3A_269] : memref<2x128x128xf32, #tpu.memory_space<vmem>> -> memref<1x128x128xf32, #tpu.memory_space<vmem>>
          %dma_wait3A_271 = tpu.memref_squeeze %dma_wait3A_270 : memref<1x128x128xf32, #tpu.memory_space<vmem>> -> memref<128x128xf32, #tpu.memory_space<vmem>>
          %dma_wait3A_272 = arith.constant 0 : i32
          %dma_wait3A_273 = tpu.memref_slice %arg4[%mul3A_267, %dma_wait3A_272] : memref<102400x128xf32, #tpu.memory_space<hbm>> -> memref<128x128xf32, #tpu.memory_space<hbm>>
          %dma_wait3A_274 = tpu.memref_slice %run_scoped3A_9[%rem3A_265] : memref<2x!tpu.dma_semaphore, #tpu.memory_space<semaphore_mem>> -> memref<1x!tpu.dma_semaphore, #tpu.memory_space<semaphore_mem>>
          %dma_wait3A_275 = tpu.memref_squeeze %dma_wait3A_274 : memref<1x!tpu.dma_semaphore, #tpu.memory_space<semaphore_mem>> -> memref<!tpu.dma_semaphore, #tpu.memory_space<semaphore_mem>>
          %dma_wait3A_276 = arith.constant 0 : i32
          %dma_wait3A_277 = tpu.memref_slice %arg4[%mul3A_267, %dma_wait3A_276] : memref<102400x128xf32, #tpu.memory_space<hbm>> -> memref<128x128xf32, #tpu.memory_space<hbm>>
          %dma_wait3A_278 = arith.constant 0 : i32
          %dma_wait3A_279 = arith.constant 0 : i32
          %dma_wait3A_280 = tpu.memref_slice %run_scoped3A_8[%rem3A_265, %dma_wait3A_278, %dma_wait3A_279] : memref<2x128x128xf32, #tpu.memory_space<vmem>> -> memref<1x128x128xf32, #tpu.memory_space<vmem>>
          %dma_wait3A_281 = tpu.memref_squeeze %dma_wait3A_280 : memref<1x128x128xf32, #tpu.memory_space<vmem>> -> memref<128x128xf32, #tpu.memory_space<vmem>>
          tpu.wait_dma2 semaphore(%dma_wait3A_275 : memref<!tpu.dma_semaphore, #tpu.memory_space<semaphore_mem>>) src(%dma_wait3A_281 : memref<128x128xf32, #tpu.memory_space<vmem>>) dst(%dma_wait3A_277 : memref<128x128xf32, #tpu.memory_space<hbm>>)
          "tpu.trace_stop"() : () -> ()
        } else {
        }
        %and3A_244 = arith.constant true
        %and3A_245 = arith.andi %and3A_240, %and3A_244 : i1
        %add3A_246 = arith.constant 1 : i32
        %add3A_247 = arith.addi %scan3A_125, %add3A_246 : i32
        %select_n3A_248 = arith.select %and3A_245, %add3A_247, %scan3A_125 : i32
        %ne3A_249 = arith.cmpi ne, %add3A_131, %add3A_149 : i32
        %or3A_250 = arith.constant false
        %or3A_251 = arith.ori %or3A_250, %ne3A_249 : i1
        %or3A_252 = arith.ori %or3A_251, %eq3A_130 : i1
        %add3A_253 = arith.constant 1 : i32
        %add3A_254 = arith.addi %scan3A_123, %add3A_253 : i32
        %select_n3A_255 = arith.select %or3A_252, %add3A_254, %scan3A_123 : i32
        %add3A_256 = arith.constant 1 : i32
        %add3A_257 = arith.addi %scan3A_126, %add3A_256 : i32
        %select_n3A_258 = arith.constant true
        %select_n3A_259 = arith.select %select_n3A_258, %add3A_257, %scan3A_126 : i32
        %eq3A_260 = arith.constant 25 : i32
        %eq3A_261 = arith.cmpi eq, %select_n3A_259, %eq3A_260 : i32
        %select_n3A_262 = arith.constant 0 : i32
        %select_n3A_263 = arith.select %eq3A_261, %select_n3A_262, %select_n3A_259 : i32
        scf.yield %select_n3A_167, %select_n3A_255, %select_n3A_221, %select_n3A_248, %select_n3A_263 : i32, i32, i32, i32, i32
      }
      %scan3A_68 = arith.constant 25 : i32
      %sub3A = arith.constant 1 : i32
      %sub3A_69 = arith.subi %scan3A_67#4, %sub3A : i32
      %select_n3A_70 = arith.constant true
      %select_n3A_71 = arith.select %select_n3A_70, %sub3A_69, %scan3A_67#4 : i32
      %eq3A_72 = arith.constant -1 : i32
      %eq3A_73 = arith.cmpi eq, %select_n3A_71, %eq3A_72 : i32
      %select_n3A_74 = arith.constant 24 : i32
      %select_n3A_75 = arith.select %eq3A_73, %select_n3A_74, %select_n3A_71 : i32
      %add3A_76 = arith.addi %select_n3A_75, %mul3A_6 : i32
      %sub3A_77 = arith.constant 1 : i32
      %sub3A_78 = arith.subi %select_n3A_75, %sub3A_77 : i32
      %select_n3A_79 = arith.constant true
      %select_n3A_80 = arith.select %select_n3A_79, %sub3A_78, %select_n3A_75 : i32
      %eq3A_81 = arith.constant -1 : i32
      %eq3A_82 = arith.cmpi eq, %select_n3A_80, %eq3A_81 : i32
      %select_n3A_83 = arith.constant 24 : i32
      %select_n3A_84 = arith.select %eq3A_82, %select_n3A_83, %select_n3A_80 : i32
      %add3A_85 = arith.addi %select_n3A_84, %mul3A_6 : i32
      %add3A_86 = arith.constant 1 : i32
      %add3A_87 = arith.addi %select_n3A_75, %add3A_86 : i32
      %select_n3A_88 = arith.constant true
      %select_n3A_89 = arith.select %select_n3A_88, %add3A_87, %select_n3A_75 : i32
      %eq3A_90 = arith.constant 25 : i32
      %eq3A_91 = arith.cmpi eq, %select_n3A_89, %eq3A_90 : i32
      %select_n3A_92 = arith.constant 0 : i32
      %select_n3A_93 = arith.select %eq3A_91, %select_n3A_92, %select_n3A_89 : i32
      %add3A_94 = arith.addi %select_n3A_93, %mul3A_6 : i32
      %add3A_95 = arith.constant 1 : i32
      %add3A_96 = arith.addi %select_n3A_93, %add3A_95 : i32
      %select_n3A_97 = arith.constant true
      %select_n3A_98 = arith.select %select_n3A_97, %add3A_96, %select_n3A_93 : i32
      %eq3A_99 = arith.constant 25 : i32
      %eq3A_100 = arith.cmpi eq, %select_n3A_98, %eq3A_99 : i32
      %select_n3A_101 = arith.constant 0 : i32
      %select_n3A_102 = arith.select %eq3A_100, %select_n3A_101, %select_n3A_98 : i32
      %add3A_103 = arith.addi %select_n3A_102, %mul3A_6 : i32
      "tpu.trace_start"() <{level = 10 : i32, message = "ep_finalize"}> : () -> ()
      %rem3A_104 = arith.constant 2 : i32
      %rem3A_105 = arith.remui %scan3A_67#3, %rem3A_104 : i32
      %mul3A_106 = arith.constant 128 : i32
      %mul3A_107 = arith.muli %mul3A_106, %add3A_76 : i32
      %dma_wait3A = arith.constant 0 : i32
      %dma_wait3A_108 = arith.constant 0 : i32
      %dma_wait3A_109 = tpu.memref_slice %run_scoped3A_8[%rem3A_105, %dma_wait3A, %dma_wait3A_108] : memref<2x128x128xf32, #tpu.memory_space<vmem>> -> memref<1x128x128xf32, #tpu.memory_space<vmem>>
      %dma_wait3A_110 = tpu.memref_squeeze %dma_wait3A_109 : memref<1x128x128xf32, #tpu.memory_space<vmem>> -> memref<128x128xf32, #tpu.memory_space<vmem>>
      %dma_wait3A_111 = arith.constant 0 : i32
      %dma_wait3A_112 = tpu.memref_slice %arg4[%mul3A_107, %dma_wait3A_111] : memref<102400x128xf32, #tpu.memory_space<hbm>> -> memref<128x128xf32, #tpu.memory_space<hbm>>
      %dma_wait3A_113 = tpu.memref_slice %run_scoped3A_9[%rem3A_105] : memref<2x!tpu.dma_semaphore, #tpu.memory_space<semaphore_mem>> -> memref<1x!tpu.dma_semaphore, #tpu.memory_space<semaphore_mem>>
      %dma_wait3A_114 = tpu.memref_squeeze %dma_wait3A_113 : memref<1x!tpu.dma_semaphore, #tpu.memory_space<semaphore_mem>> -> memref<!tpu.dma_semaphore, #tpu.memory_space<semaphore_mem>>
      %dma_wait3A_115 = arith.constant 0 : i32
      %dma_wait3A_116 = tpu.memref_slice %arg4[%mul3A_107, %dma_wait3A_115] : memref<102400x128xf32, #tpu.memory_space<hbm>> -> memref<128x128xf32, #tpu.memory_space<hbm>>
      %dma_wait3A_117 = arith.constant 0 : i32
      %dma_wait3A_118 = arith.constant 0 : i32
      %dma_wait3A_119 = tpu.memref_slice %run_scoped3A_8[%rem3A_105, %dma_wait3A_117, %dma_wait3A_118] : memref<2x128x128xf32, #tpu.memory_space<vmem>> -> memref<1x128x128xf32, #tpu.memory_space<vmem>>
      %dma_wait3A_120 = tpu.memref_squeeze %dma_wait3A_119 : memref<1x128x128xf32, #tpu.memory_space<vmem>> -> memref<128x128xf32, #tpu.memory_space<vmem>>
      tpu.wait_dma2 semaphore(%dma_wait3A_114 : memref<!tpu.dma_semaphore, #tpu.memory_space<semaphore_mem>>) src(%dma_wait3A_120 : memref<128x128xf32, #tpu.memory_space<vmem>>) dst(%dma_wait3A_116 : memref<128x128xf32, #tpu.memory_space<hbm>>)
      "tpu.trace_stop"() : () -> ()
      tpu.yield
    }) : () -> ()
    return
  }
}

module attributes {stable_mosaic.version = 14 : i64} {
  func.func @_knn_body(%arg0: i32, %arg1: memref<80x1xf32, #tpu.memory_space<vmem>>, %arg2: memref<80x2xf32, #tpu.memory_space<vmem>>, %arg3: memref<2x10112xf32, #tpu.memory_space<vmem>>, %arg4: memref<1x10112xf32, #tpu.memory_space<vmem>>, %arg5: memref<80x10xi32, #tpu.memory_space<vmem>>, %arg6: memref<80x10112xf32, #tpu.memory_space<vmem>>) attributes {dimension_semantics = [#tpu.dimension_semantics<parallel>], iteration_bounds = array<i64: 125>, scalar_prefetch = 0 : i64, scratch_operands = 1 : i64, tpu.core_type = #tpu.core_type<tc>, window_params = [{transform_indices = @transform_0, window_bounds = array<i64: 80, 1>}, {transform_indices = @transform_1, window_bounds = array<i64: 80, 2>}, {pipeline_mode = #tpu.pipeline_mode<synchronous>, transform_indices = @transform_2, window_bounds = array<i64: 2, 10112>}, {pipeline_mode = #tpu.pipeline_mode<synchronous>, transform_indices = @transform_3, window_bounds = array<i64: 1, 10112>}, {transform_indices = @transform_4, window_bounds = array<i64: 80, 10>}]} {
    %get3A = arith.constant 0 : index
    %get3A_0 = arith.constant 0 : index
    %get3A_1 = vector.load %arg2[%get3A, %get3A_0] : memref<80x2xf32, #tpu.memory_space<vmem>>, vector<80x2xf32>
    %convert_element_type3A = arith.truncf %get3A_1 : vector<80x2xf32> to vector<80x2xbf16>
    %get3A_2 = arith.constant 0 : index
    %get3A_3 = arith.constant 0 : index
    %get3A_4 = vector.load %arg3[%get3A_2, %get3A_3] : memref<2x10112xf32, #tpu.memory_space<vmem>>, vector<2x10112xf32>
    %convert_element_type3A_5 = arith.truncf %get3A_4 : vector<2x10112xf32> to vector<2x10112xbf16>
    %dot_general3A = arith.constant dense<0.000000e+00> : vector<80x10112xf32>
    %dot_general3A_6 = tpu.matmul %convert_element_type3A, %convert_element_type3A_5, %dot_general3A {dimension_numbers = #tpu.dot_dimension_numbers<[1], [0], [0], [1], [0, 0, 1, 1], [], []>, transpose_lhs_hint = false} : vector<80x2xbf16>, vector<2x10112xbf16>, vector<80x10112xf32> -> vector<80x10112xf32>
    %get3A_7 = arith.constant 0 : index
    %get3A_8 = arith.constant 0 : index
    %get3A_9 = vector.load %arg1[%get3A_7, %get3A_8] : memref<80x1xf32, #tpu.memory_space<vmem>>, vector<80x1xf32>
    %get3A_10 = arith.constant 0 : index
    %get3A_11 = arith.constant 0 : index
    %get3A_12 = vector.load %arg4[%get3A_10, %get3A_11] : memref<1x10112xf32, #tpu.memory_space<vmem>>, vector<1x10112xf32>
    %add3A = vector.broadcast %get3A_9 : vector<80x1xf32> to vector<80x10112xf32>
    %add3A_13 = vector.broadcast %get3A_12 : vector<1x10112xf32> to vector<80x10112xf32>
    %add3A_14 = arith.addf %add3A, %add3A_13 : vector<80x10112xf32>
    %mul3A = arith.constant 2.000000e+00 : f32
    %mul3A_15 = vector.broadcast %mul3A : f32 to vector<80x10112xf32>
    %mul3A_16 = arith.mulf %mul3A_15, %dot_general3A_6 : vector<80x10112xf32>
    %sub3A = arith.subf %add3A_14, %mul3A_16 : vector<80x10112xf32>
    %swap3A = arith.constant 0 : index
    %swap3A_17 = arith.constant 0 : index
    %swap3A_18 = vector.load %arg6[%swap3A, %swap3A_17] : memref<80x10112xf32, #tpu.memory_space<vmem>>, vector<80x10112xf32>
    tpu.vector_store %arg6[%swap3A, %swap3A_17], %sub3A {strides = array<i32>} : memref<80x10112xf32, #tpu.memory_space<vmem>>, vector<80x10112xf32>,
    %iota3A = tpu.iota {dimensions = array<i32: 1>} : vector<80x10112xi32>
    %get3A_19 = arith.constant 0 : index
    %get3A_20 = arith.constant 0 : index
    %get3A_21 = vector.load %arg6[%get3A_19, %get3A_20] : memref<80x10112xf32, #tpu.memory_space<vmem>>, vector<80x10112xf32>
    %reduce_min3A = arith.constant dense<0x7F800000> : vector<80xf32>
    %reduce_min3A_22 = vector.multi_reduction <minimumf>, %get3A_21, %reduce_min3A [1] : vector<80x10112xf32> to vector<80xf32>
    %broadcast_in_dim3A = vector.shape_cast %reduce_min3A_22 : vector<80xf32> to vector<80x1xf32>
    %eq3A = vector.broadcast %broadcast_in_dim3A : vector<80x1xf32> to vector<80x10112xf32>
    %eq3A_23 = arith.cmpf oeq, %get3A_21, %eq3A : vector<80x10112xf32>
    %jit3A = arith.constant 1073741824 : i32
    %broadcast_in_dim3A_24 = vector.broadcast %jit3A : i32 to vector<80x10112xi32>
    %select_n3A = arith.select %eq3A_23, %iota3A, %broadcast_in_dim3A_24 : vector<80x10112xi1>, vector<80x10112xi32>
    %reduce_min3A_25 = arith.constant dense<2147483647> : vector<80xi32>
    %reduce_min3A_26 = vector.multi_reduction <minsi>, %select_n3A, %reduce_min3A_25 [1] : vector<80x10112xi32> to vector<80xi32>
    %broadcast_in_dim3A_27 = vector.shape_cast %reduce_min3A_26 : vector<80xi32> to vector<80x1xi32>
    %eq3A_28 = vector.broadcast %broadcast_in_dim3A_27 : vector<80x1xi32> to vector<80x10112xi32>
    %eq3A_29 = arith.cmpi eq, %iota3A, %eq3A_28 : vector<80x10112xi32>
    %jit3A_30 = arith.constant 0x7F800000 : f32
    %broadcast_in_dim3A_31 = vector.broadcast %jit3A_30 : f32 to vector<80x10112xf32>
    %select_n3A_32 = arith.select %eq3A_29, %broadcast_in_dim3A_31, %get3A_21 : vector<80x10112xi1>, vector<80x10112xf32>
    %swap3A_33 = arith.constant 0 : index
    %swap3A_34 = arith.constant 0 : index
    %swap3A_35 = vector.load %arg6[%swap3A_33, %swap3A_34] : memref<80x10112xf32, #tpu.memory_space<vmem>>, vector<80x10112xf32>
    tpu.vector_store %arg6[%swap3A_33, %swap3A_34], %select_n3A_32 {strides = array<i32>} : memref<80x10112xf32, #tpu.memory_space<vmem>>, vector<80x10112xf32>,
    %get3A_36 = arith.constant 0 : index
    %get3A_37 = arith.constant 0 : index
    %get3A_38 = vector.load %arg6[%get3A_36, %get3A_37] : memref<80x10112xf32, #tpu.memory_space<vmem>>, vector<80x10112xf32>
    %reduce_min3A_39 = arith.constant dense<0x7F800000> : vector<80xf32>
    %reduce_min3A_40 = vector.multi_reduction <minimumf>, %get3A_38, %reduce_min3A_39 [1] : vector<80x10112xf32> to vector<80xf32>
    %broadcast_in_dim3A_41 = vector.shape_cast %reduce_min3A_40 : vector<80xf32> to vector<80x1xf32>
    %eq3A_42 = vector.broadcast %broadcast_in_dim3A_41 : vector<80x1xf32> to vector<80x10112xf32>
    %eq3A_43 = arith.cmpf oeq, %get3A_38, %eq3A_42 : vector<80x10112xf32>
    %jit3A_44 = arith.constant 1073741824 : i32
    %broadcast_in_dim3A_45 = vector.broadcast %jit3A_44 : i32 to vector<80x10112xi32>
    %select_n3A_46 = arith.select %eq3A_43, %iota3A, %broadcast_in_dim3A_45 : vector<80x10112xi1>, vector<80x10112xi32>
    %reduce_min3A_47 = arith.constant dense<2147483647> : vector<80xi32>
    %reduce_min3A_48 = vector.multi_reduction <minsi>, %select_n3A_46, %reduce_min3A_47 [1] : vector<80x10112xi32> to vector<80xi32>
    %broadcast_in_dim3A_49 = vector.shape_cast %reduce_min3A_48 : vector<80xi32> to vector<80x1xi32>
    %eq3A_50 = vector.broadcast %broadcast_in_dim3A_49 : vector<80x1xi32> to vector<80x10112xi32>
    %eq3A_51 = arith.cmpi eq, %iota3A, %eq3A_50 : vector<80x10112xi32>
    %jit3A_52 = arith.constant 0x7F800000 : f32
    %broadcast_in_dim3A_53 = vector.broadcast %jit3A_52 : f32 to vector<80x10112xf32>
    %select_n3A_54 = arith.select %eq3A_51, %broadcast_in_dim3A_53, %get3A_38 : vector<80x10112xi1>, vector<80x10112xf32>
    %swap3A_55 = arith.constant 0 : index
    %swap3A_56 = arith.constant 0 : index
    %swap3A_57 = vector.load %arg6[%swap3A_55, %swap3A_56] : memref<80x10112xf32, #tpu.memory_space<vmem>>, vector<80x10112xf32>
    tpu.vector_store %arg6[%swap3A_55, %swap3A_56], %select_n3A_54 {strides = array<i32>} : memref<80x10112xf32, #tpu.memory_space<vmem>>, vector<80x10112xf32>,
    %get3A_58 = arith.constant 0 : index
    %get3A_59 = arith.constant 0 : index
    %get3A_60 = vector.load %arg6[%get3A_58, %get3A_59] : memref<80x10112xf32, #tpu.memory_space<vmem>>, vector<80x10112xf32>
    %reduce_min3A_61 = arith.constant dense<0x7F800000> : vector<80xf32>
    %reduce_min3A_62 = vector.multi_reduction <minimumf>, %get3A_60, %reduce_min3A_61 [1] : vector<80x10112xf32> to vector<80xf32>
    %broadcast_in_dim3A_63 = vector.shape_cast %reduce_min3A_62 : vector<80xf32> to vector<80x1xf32>
    %eq3A_64 = vector.broadcast %broadcast_in_dim3A_63 : vector<80x1xf32> to vector<80x10112xf32>
    %eq3A_65 = arith.cmpf oeq, %get3A_60, %eq3A_64 : vector<80x10112xf32>
    %jit3A_66 = arith.constant 1073741824 : i32
    %broadcast_in_dim3A_67 = vector.broadcast %jit3A_66 : i32 to vector<80x10112xi32>
    %select_n3A_68 = arith.select %eq3A_65, %iota3A, %broadcast_in_dim3A_67 : vector<80x10112xi1>, vector<80x10112xi32>
    %reduce_min3A_69 = arith.constant dense<2147483647> : vector<80xi32>
    %reduce_min3A_70 = vector.multi_reduction <minsi>, %select_n3A_68, %reduce_min3A_69 [1] : vector<80x10112xi32> to vector<80xi32>
    %broadcast_in_dim3A_71 = vector.shape_cast %reduce_min3A_70 : vector<80xi32> to vector<80x1xi32>
    %eq3A_72 = vector.broadcast %broadcast_in_dim3A_71 : vector<80x1xi32> to vector<80x10112xi32>
    %eq3A_73 = arith.cmpi eq, %iota3A, %eq3A_72 : vector<80x10112xi32>
    %jit3A_74 = arith.constant 0x7F800000 : f32
    %broadcast_in_dim3A_75 = vector.broadcast %jit3A_74 : f32 to vector<80x10112xf32>
    %select_n3A_76 = arith.select %eq3A_73, %broadcast_in_dim3A_75, %get3A_60 : vector<80x10112xi1>, vector<80x10112xf32>
    %swap3A_77 = arith.constant 0 : index
    %swap3A_78 = arith.constant 0 : index
    %swap3A_79 = vector.load %arg6[%swap3A_77, %swap3A_78] : memref<80x10112xf32, #tpu.memory_space<vmem>>, vector<80x10112xf32>
    tpu.vector_store %arg6[%swap3A_77, %swap3A_78], %select_n3A_76 {strides = array<i32>} : memref<80x10112xf32, #tpu.memory_space<vmem>>, vector<80x10112xf32>,
    %get3A_80 = arith.constant 0 : index
    %get3A_81 = arith.constant 0 : index
    %get3A_82 = vector.load %arg6[%get3A_80, %get3A_81] : memref<80x10112xf32, #tpu.memory_space<vmem>>, vector<80x10112xf32>
    %reduce_min3A_83 = arith.constant dense<0x7F800000> : vector<80xf32>
    %reduce_min3A_84 = vector.multi_reduction <minimumf>, %get3A_82, %reduce_min3A_83 [1] : vector<80x10112xf32> to vector<80xf32>
    %broadcast_in_dim3A_85 = vector.shape_cast %reduce_min3A_84 : vector<80xf32> to vector<80x1xf32>
    %eq3A_86 = vector.broadcast %broadcast_in_dim3A_85 : vector<80x1xf32> to vector<80x10112xf32>
    %eq3A_87 = arith.cmpf oeq, %get3A_82, %eq3A_86 : vector<80x10112xf32>
    %jit3A_88 = arith.constant 1073741824 : i32
    %broadcast_in_dim3A_89 = vector.broadcast %jit3A_88 : i32 to vector<80x10112xi32>
    %select_n3A_90 = arith.select %eq3A_87, %iota3A, %broadcast_in_dim3A_89 : vector<80x10112xi1>, vector<80x10112xi32>
    %reduce_min3A_91 = arith.constant dense<2147483647> : vector<80xi32>
    %reduce_min3A_92 = vector.multi_reduction <minsi>, %select_n3A_90, %reduce_min3A_91 [1] : vector<80x10112xi32> to vector<80xi32>
    %broadcast_in_dim3A_93 = vector.shape_cast %reduce_min3A_92 : vector<80xi32> to vector<80x1xi32>
    %eq3A_94 = vector.broadcast %broadcast_in_dim3A_93 : vector<80x1xi32> to vector<80x10112xi32>
    %eq3A_95 = arith.cmpi eq, %iota3A, %eq3A_94 : vector<80x10112xi32>
    %jit3A_96 = arith.constant 0x7F800000 : f32
    %broadcast_in_dim3A_97 = vector.broadcast %jit3A_96 : f32 to vector<80x10112xf32>
    %select_n3A_98 = arith.select %eq3A_95, %broadcast_in_dim3A_97, %get3A_82 : vector<80x10112xi1>, vector<80x10112xf32>
    %swap3A_99 = arith.constant 0 : index
    %swap3A_100 = arith.constant 0 : index
    %swap3A_101 = vector.load %arg6[%swap3A_99, %swap3A_100] : memref<80x10112xf32, #tpu.memory_space<vmem>>, vector<80x10112xf32>
    tpu.vector_store %arg6[%swap3A_99, %swap3A_100], %select_n3A_98 {strides = array<i32>} : memref<80x10112xf32, #tpu.memory_space<vmem>>, vector<80x10112xf32>,
    %get3A_102 = arith.constant 0 : index
    %get3A_103 = arith.constant 0 : index
    %get3A_104 = vector.load %arg6[%get3A_102, %get3A_103] : memref<80x10112xf32, #tpu.memory_space<vmem>>, vector<80x10112xf32>
    %reduce_min3A_105 = arith.constant dense<0x7F800000> : vector<80xf32>
    %reduce_min3A_106 = vector.multi_reduction <minimumf>, %get3A_104, %reduce_min3A_105 [1] : vector<80x10112xf32> to vector<80xf32>
    %broadcast_in_dim3A_107 = vector.shape_cast %reduce_min3A_106 : vector<80xf32> to vector<80x1xf32>
    %eq3A_108 = vector.broadcast %broadcast_in_dim3A_107 : vector<80x1xf32> to vector<80x10112xf32>
    %eq3A_109 = arith.cmpf oeq, %get3A_104, %eq3A_108 : vector<80x10112xf32>
    %jit3A_110 = arith.constant 1073741824 : i32
    %broadcast_in_dim3A_111 = vector.broadcast %jit3A_110 : i32 to vector<80x10112xi32>
    %select_n3A_112 = arith.select %eq3A_109, %iota3A, %broadcast_in_dim3A_111 : vector<80x10112xi1>, vector<80x10112xi32>
    %reduce_min3A_113 = arith.constant dense<2147483647> : vector<80xi32>
    %reduce_min3A_114 = vector.multi_reduction <minsi>, %select_n3A_112, %reduce_min3A_113 [1] : vector<80x10112xi32> to vector<80xi32>
    %broadcast_in_dim3A_115 = vector.shape_cast %reduce_min3A_114 : vector<80xi32> to vector<80x1xi32>
    %eq3A_116 = vector.broadcast %broadcast_in_dim3A_115 : vector<80x1xi32> to vector<80x10112xi32>
    %eq3A_117 = arith.cmpi eq, %iota3A, %eq3A_116 : vector<80x10112xi32>
    %jit3A_118 = arith.constant 0x7F800000 : f32
    %broadcast_in_dim3A_119 = vector.broadcast %jit3A_118 : f32 to vector<80x10112xf32>
    %select_n3A_120 = arith.select %eq3A_117, %broadcast_in_dim3A_119, %get3A_104 : vector<80x10112xi1>, vector<80x10112xf32>
    %swap3A_121 = arith.constant 0 : index
    %swap3A_122 = arith.constant 0 : index
    %swap3A_123 = vector.load %arg6[%swap3A_121, %swap3A_122] : memref<80x10112xf32, #tpu.memory_space<vmem>>, vector<80x10112xf32>
    tpu.vector_store %arg6[%swap3A_121, %swap3A_122], %select_n3A_120 {strides = array<i32>} : memref<80x10112xf32, #tpu.memory_space<vmem>>, vector<80x10112xf32>,
    %get3A_124 = arith.constant 0 : index
    %get3A_125 = arith.constant 0 : index
    %get3A_126 = vector.load %arg6[%get3A_124, %get3A_125] : memref<80x10112xf32, #tpu.memory_space<vmem>>, vector<80x10112xf32>
    %reduce_min3A_127 = arith.constant dense<0x7F800000> : vector<80xf32>
    %reduce_min3A_128 = vector.multi_reduction <minimumf>, %get3A_126, %reduce_min3A_127 [1] : vector<80x10112xf32> to vector<80xf32>
    %broadcast_in_dim3A_129 = vector.shape_cast %reduce_min3A_128 : vector<80xf32> to vector<80x1xf32>
    %eq3A_130 = vector.broadcast %broadcast_in_dim3A_129 : vector<80x1xf32> to vector<80x10112xf32>
    %eq3A_131 = arith.cmpf oeq, %get3A_126, %eq3A_130 : vector<80x10112xf32>
    %jit3A_132 = arith.constant 1073741824 : i32
    %broadcast_in_dim3A_133 = vector.broadcast %jit3A_132 : i32 to vector<80x10112xi32>
    %select_n3A_134 = arith.select %eq3A_131, %iota3A, %broadcast_in_dim3A_133 : vector<80x10112xi1>, vector<80x10112xi32>
    %reduce_min3A_135 = arith.constant dense<2147483647> : vector<80xi32>
    %reduce_min3A_136 = vector.multi_reduction <minsi>, %select_n3A_134, %reduce_min3A_135 [1] : vector<80x10112xi32> to vector<80xi32>
    %broadcast_in_dim3A_137 = vector.shape_cast %reduce_min3A_136 : vector<80xi32> to vector<80x1xi32>
    %eq3A_138 = vector.broadcast %broadcast_in_dim3A_137 : vector<80x1xi32> to vector<80x10112xi32>
    %eq3A_139 = arith.cmpi eq, %iota3A, %eq3A_138 : vector<80x10112xi32>
    %jit3A_140 = arith.constant 0x7F800000 : f32
    %broadcast_in_dim3A_141 = vector.broadcast %jit3A_140 : f32 to vector<80x10112xf32>
    %select_n3A_142 = arith.select %eq3A_139, %broadcast_in_dim3A_141, %get3A_126 : vector<80x10112xi1>, vector<80x10112xf32>
    %swap3A_143 = arith.constant 0 : index
    %swap3A_144 = arith.constant 0 : index
    %swap3A_145 = vector.load %arg6[%swap3A_143, %swap3A_144] : memref<80x10112xf32, #tpu.memory_space<vmem>>, vector<80x10112xf32>
    tpu.vector_store %arg6[%swap3A_143, %swap3A_144], %select_n3A_142 {strides = array<i32>} : memref<80x10112xf32, #tpu.memory_space<vmem>>, vector<80x10112xf32>,
    %get3A_146 = arith.constant 0 : index
    %get3A_147 = arith.constant 0 : index
    %get3A_148 = vector.load %arg6[%get3A_146, %get3A_147] : memref<80x10112xf32, #tpu.memory_space<vmem>>, vector<80x10112xf32>
    %reduce_min3A_149 = arith.constant dense<0x7F800000> : vector<80xf32>
    %reduce_min3A_150 = vector.multi_reduction <minimumf>, %get3A_148, %reduce_min3A_149 [1] : vector<80x10112xf32> to vector<80xf32>
    %broadcast_in_dim3A_151 = vector.shape_cast %reduce_min3A_150 : vector<80xf32> to vector<80x1xf32>
    %eq3A_152 = vector.broadcast %broadcast_in_dim3A_151 : vector<80x1xf32> to vector<80x10112xf32>
    %eq3A_153 = arith.cmpf oeq, %get3A_148, %eq3A_152 : vector<80x10112xf32>
    %jit3A_154 = arith.constant 1073741824 : i32
    %broadcast_in_dim3A_155 = vector.broadcast %jit3A_154 : i32 to vector<80x10112xi32>
    %select_n3A_156 = arith.select %eq3A_153, %iota3A, %broadcast_in_dim3A_155 : vector<80x10112xi1>, vector<80x10112xi32>
    %reduce_min3A_157 = arith.constant dense<2147483647> : vector<80xi32>
    %reduce_min3A_158 = vector.multi_reduction <minsi>, %select_n3A_156, %reduce_min3A_157 [1] : vector<80x10112xi32> to vector<80xi32>
    %broadcast_in_dim3A_159 = vector.shape_cast %reduce_min3A_158 : vector<80xi32> to vector<80x1xi32>
    %eq3A_160 = vector.broadcast %broadcast_in_dim3A_159 : vector<80x1xi32> to vector<80x10112xi32>
    %eq3A_161 = arith.cmpi eq, %iota3A, %eq3A_160 : vector<80x10112xi32>
    %jit3A_162 = arith.constant 0x7F800000 : f32
    %broadcast_in_dim3A_163 = vector.broadcast %jit3A_162 : f32 to vector<80x10112xf32>
    %select_n3A_164 = arith.select %eq3A_161, %broadcast_in_dim3A_163, %get3A_148 : vector<80x10112xi1>, vector<80x10112xf32>
    %swap3A_165 = arith.constant 0 : index
    %swap3A_166 = arith.constant 0 : index
    %swap3A_167 = vector.load %arg6[%swap3A_165, %swap3A_166] : memref<80x10112xf32, #tpu.memory_space<vmem>>, vector<80x10112xf32>
    tpu.vector_store %arg6[%swap3A_165, %swap3A_166], %select_n3A_164 {strides = array<i32>} : memref<80x10112xf32, #tpu.memory_space<vmem>>, vector<80x10112xf32>,
    %get3A_168 = arith.constant 0 : index
    %get3A_169 = arith.constant 0 : index
    %get3A_170 = vector.load %arg6[%get3A_168, %get3A_169] : memref<80x10112xf32, #tpu.memory_space<vmem>>, vector<80x10112xf32>
    %reduce_min3A_171 = arith.constant dense<0x7F800000> : vector<80xf32>
    %reduce_min3A_172 = vector.multi_reduction <minimumf>, %get3A_170, %reduce_min3A_171 [1] : vector<80x10112xf32> to vector<80xf32>
    %broadcast_in_dim3A_173 = vector.shape_cast %reduce_min3A_172 : vector<80xf32> to vector<80x1xf32>
    %eq3A_174 = vector.broadcast %broadcast_in_dim3A_173 : vector<80x1xf32> to vector<80x10112xf32>
    %eq3A_175 = arith.cmpf oeq, %get3A_170, %eq3A_174 : vector<80x10112xf32>
    %jit3A_176 = arith.constant 1073741824 : i32
    %broadcast_in_dim3A_177 = vector.broadcast %jit3A_176 : i32 to vector<80x10112xi32>
    %select_n3A_178 = arith.select %eq3A_175, %iota3A, %broadcast_in_dim3A_177 : vector<80x10112xi1>, vector<80x10112xi32>
    %reduce_min3A_179 = arith.constant dense<2147483647> : vector<80xi32>
    %reduce_min3A_180 = vector.multi_reduction <minsi>, %select_n3A_178, %reduce_min3A_179 [1] : vector<80x10112xi32> to vector<80xi32>
    %broadcast_in_dim3A_181 = vector.shape_cast %reduce_min3A_180 : vector<80xi32> to vector<80x1xi32>
    %eq3A_182 = vector.broadcast %broadcast_in_dim3A_181 : vector<80x1xi32> to vector<80x10112xi32>
    %eq3A_183 = arith.cmpi eq, %iota3A, %eq3A_182 : vector<80x10112xi32>
    %jit3A_184 = arith.constant 0x7F800000 : f32
    %broadcast_in_dim3A_185 = vector.broadcast %jit3A_184 : f32 to vector<80x10112xf32>
    %select_n3A_186 = arith.select %eq3A_183, %broadcast_in_dim3A_185, %get3A_170 : vector<80x10112xi1>, vector<80x10112xf32>
    %swap3A_187 = arith.constant 0 : index
    %swap3A_188 = arith.constant 0 : index
    %swap3A_189 = vector.load %arg6[%swap3A_187, %swap3A_188] : memref<80x10112xf32, #tpu.memory_space<vmem>>, vector<80x10112xf32>
    tpu.vector_store %arg6[%swap3A_187, %swap3A_188], %select_n3A_186 {strides = array<i32>} : memref<80x10112xf32, #tpu.memory_space<vmem>>, vector<80x10112xf32>,
    %get3A_190 = arith.constant 0 : index
    %get3A_191 = arith.constant 0 : index
    %get3A_192 = vector.load %arg6[%get3A_190, %get3A_191] : memref<80x10112xf32, #tpu.memory_space<vmem>>, vector<80x10112xf32>
    %reduce_min3A_193 = arith.constant dense<0x7F800000> : vector<80xf32>
    %reduce_min3A_194 = vector.multi_reduction <minimumf>, %get3A_192, %reduce_min3A_193 [1] : vector<80x10112xf32> to vector<80xf32>
    %broadcast_in_dim3A_195 = vector.shape_cast %reduce_min3A_194 : vector<80xf32> to vector<80x1xf32>
    %eq3A_196 = vector.broadcast %broadcast_in_dim3A_195 : vector<80x1xf32> to vector<80x10112xf32>
    %eq3A_197 = arith.cmpf oeq, %get3A_192, %eq3A_196 : vector<80x10112xf32>
    %jit3A_198 = arith.constant 1073741824 : i32
    %broadcast_in_dim3A_199 = vector.broadcast %jit3A_198 : i32 to vector<80x10112xi32>
    %select_n3A_200 = arith.select %eq3A_197, %iota3A, %broadcast_in_dim3A_199 : vector<80x10112xi1>, vector<80x10112xi32>
    %reduce_min3A_201 = arith.constant dense<2147483647> : vector<80xi32>
    %reduce_min3A_202 = vector.multi_reduction <minsi>, %select_n3A_200, %reduce_min3A_201 [1] : vector<80x10112xi32> to vector<80xi32>
    %broadcast_in_dim3A_203 = vector.shape_cast %reduce_min3A_202 : vector<80xi32> to vector<80x1xi32>
    %eq3A_204 = vector.broadcast %broadcast_in_dim3A_203 : vector<80x1xi32> to vector<80x10112xi32>
    %eq3A_205 = arith.cmpi eq, %iota3A, %eq3A_204 : vector<80x10112xi32>
    %jit3A_206 = arith.constant 0x7F800000 : f32
    %broadcast_in_dim3A_207 = vector.broadcast %jit3A_206 : f32 to vector<80x10112xf32>
    %select_n3A_208 = arith.select %eq3A_205, %broadcast_in_dim3A_207, %get3A_192 : vector<80x10112xi1>, vector<80x10112xf32>
    %swap3A_209 = arith.constant 0 : index
    %swap3A_210 = arith.constant 0 : index
    %swap3A_211 = vector.load %arg6[%swap3A_209, %swap3A_210] : memref<80x10112xf32, #tpu.memory_space<vmem>>, vector<80x10112xf32>
    tpu.vector_store %arg6[%swap3A_209, %swap3A_210], %select_n3A_208 {strides = array<i32>} : memref<80x10112xf32, #tpu.memory_space<vmem>>, vector<80x10112xf32>,
    %get3A_212 = arith.constant 0 : index
    %get3A_213 = arith.constant 0 : index
    %get3A_214 = vector.load %arg6[%get3A_212, %get3A_213] : memref<80x10112xf32, #tpu.memory_space<vmem>>, vector<80x10112xf32>
    %reduce_min3A_215 = arith.constant dense<0x7F800000> : vector<80xf32>
    %reduce_min3A_216 = vector.multi_reduction <minimumf>, %get3A_214, %reduce_min3A_215 [1] : vector<80x10112xf32> to vector<80xf32>
    %broadcast_in_dim3A_217 = vector.shape_cast %reduce_min3A_216 : vector<80xf32> to vector<80x1xf32>
    %eq3A_218 = vector.broadcast %broadcast_in_dim3A_217 : vector<80x1xf32> to vector<80x10112xf32>
    %eq3A_219 = arith.cmpf oeq, %get3A_214, %eq3A_218 : vector<80x10112xf32>
    %jit3A_220 = arith.constant 1073741824 : i32
    %broadcast_in_dim3A_221 = vector.broadcast %jit3A_220 : i32 to vector<80x10112xi32>
    %select_n3A_222 = arith.select %eq3A_219, %iota3A, %broadcast_in_dim3A_221 : vector<80x10112xi1>, vector<80x10112xi32>
    %reduce_min3A_223 = arith.constant dense<2147483647> : vector<80xi32>
    %reduce_min3A_224 = vector.multi_reduction <minsi>, %select_n3A_222, %reduce_min3A_223 [1] : vector<80x10112xi32> to vector<80xi32>
    %broadcast_in_dim3A_225 = vector.shape_cast %reduce_min3A_224 : vector<80xi32> to vector<80x1xi32>
    %concatenate3A = tpu.concatenate %broadcast_in_dim3A_27, %broadcast_in_dim3A_49, %broadcast_in_dim3A_71, %broadcast_in_dim3A_93, %broadcast_in_dim3A_115, %broadcast_in_dim3A_137, %broadcast_in_dim3A_159, %broadcast_in_dim3A_181, %broadcast_in_dim3A_203, %broadcast_in_dim3A_225 in 1 : vector<80x1xi32>, vector<80x1xi32>, vector<80x1xi32>, vector<80x1xi32>, vector<80x1xi32>, vector<80x1xi32>, vector<80x1xi32>, vector<80x1xi32>, vector<80x1xi32>, vector<80x1xi32> -> vector<80x10xi32>
    %swap3A_226 = arith.constant 0 : index
    %swap3A_227 = arith.constant 0 : index
    %swap3A_228 = vector.load %arg5[%swap3A_226, %swap3A_227] : memref<80x10xi32, #tpu.memory_space<vmem>>, vector<80x10xi32>
    tpu.vector_store %arg5[%swap3A_226, %swap3A_227], %concatenate3A {strides = array<i32>} : memref<80x10xi32, #tpu.memory_space<vmem>>, vector<80x10xi32>,
    return
  }
  func.func @transform_0(%arg0: i32) -> (i32, i32) {
    %c0_i32 = arith.constant 0 : i32
    %c0_i32_0 = arith.constant 0 : i32
    return %arg0, %c0_i32 : i32, i32
  }
  func.func @transform_1(%arg0: i32) -> (i32, i32) {
    %c0_i32 = arith.constant 0 : i32
    %c0_i32_0 = arith.constant 0 : i32
    return %arg0, %c0_i32 : i32, i32
  }
  func.func @transform_2(%arg0: i32) -> (i32, i32) {
    %c0_i32 = arith.constant 0 : i32
    %c0_i32_0 = arith.constant 0 : i32
    %c0_i32_1 = arith.constant 0 : i32
    return %c0_i32, %c0_i32_0 : i32, i32
  }
  func.func @transform_3(%arg0: i32) -> (i32, i32) {
    %c0_i32 = arith.constant 0 : i32
    %c0_i32_0 = arith.constant 0 : i32
    %c0_i32_1 = arith.constant 0 : i32
    return %c0_i32, %c0_i32_0 : i32, i32
  }
  func.func @transform_4(%arg0: i32) -> (i32, i32) {
    %c0_i32 = arith.constant 0 : i32
    %c0_i32_0 = arith.constant 0 : i32
    return %arg0, %c0_i32 : i32, i32
  }
}

module attributes {stable_mosaic.version = 14 : i64} {
  func.func @_yhr_body(%arg0: i32, %arg1: memref<6x80x64xf32, #tpu.memory_space<vmem>>, %arg2: memref<6x64x96xf32, #tpu.memory_space<vmem>>, %arg3: memref<80x96xf32, #tpu.memory_space<vmem>>) attributes {dimension_semantics = [#tpu.dimension_semantics<parallel>], iteration_bounds = array<i64: 125>, scalar_prefetch = 0 : i64, scratch_operands = 0 : i64, tpu.core_type = #tpu.core_type<tc>, window_params = [{transform_indices = @transform_0, window_bounds = array<i64: 6, 80, 64>}, {pipeline_mode = #tpu.pipeline_mode<synchronous>, transform_indices = @transform_1, window_bounds = array<i64: 6, 64, 96>}, {transform_indices = @transform_2, window_bounds = array<i64: 80, 96>}]} {
    %broadcast_in_dim3A = arith.constant 0.000000e+00 : f32
    %broadcast_in_dim3A_0 = vector.broadcast %broadcast_in_dim3A : f32 to vector<80x96xf32>
    %get3A = arith.constant 0 : index
    %get3A_1 = arith.constant 0 : index
    %get3A_2 = arith.constant 0 : index
    %get3A_3 = vector.load %arg1[%get3A, %get3A_1, %get3A_2] : memref<6x80x64xf32, #tpu.memory_space<vmem>>, vector<1x80x64xf32>
    %get3A_4 = vector.shape_cast %get3A_3 : vector<1x80x64xf32> to vector<80x64xf32>
    %get3A_5 = arith.constant 0 : index
    %get3A_6 = arith.constant 0 : index
    %get3A_7 = arith.constant 0 : index
    %get3A_8 = vector.load %arg2[%get3A_5, %get3A_6, %get3A_7] : memref<6x64x96xf32, #tpu.memory_space<vmem>>, vector<1x64x96xf32>
    %get3A_9 = vector.shape_cast %get3A_8 : vector<1x64x96xf32> to vector<64x96xf32>
    %dot_general3A = arith.constant dense<0.000000e+00> : vector<80x96xf32>
    %dot_general3A_10 = tpu.matmul %get3A_4, %get3A_9, %dot_general3A {dimension_numbers = #tpu.dot_dimension_numbers<[1], [0], [0], [1], [0, 0, 1, 1], [], []>, precision = #tpu.contract_precision<fp32>, transpose_lhs_hint = false} : vector<80x64xf32>, vector<64x96xf32>, vector<80x96xf32> -> vector<80x96xf32>
    %add3A = arith.addf %broadcast_in_dim3A_0, %dot_general3A_10 : vector<80x96xf32>
    %get3A_11 = arith.constant 1 : index
    %get3A_12 = arith.constant 0 : index
    %get3A_13 = arith.constant 0 : index
    %get3A_14 = vector.load %arg1[%get3A_11, %get3A_12, %get3A_13] : memref<6x80x64xf32, #tpu.memory_space<vmem>>, vector<1x80x64xf32>
    %get3A_15 = vector.shape_cast %get3A_14 : vector<1x80x64xf32> to vector<80x64xf32>
    %get3A_16 = arith.constant 1 : index
    %get3A_17 = arith.constant 0 : index
    %get3A_18 = arith.constant 0 : index
    %get3A_19 = vector.load %arg2[%get3A_16, %get3A_17, %get3A_18] : memref<6x64x96xf32, #tpu.memory_space<vmem>>, vector<1x64x96xf32>
    %get3A_20 = vector.shape_cast %get3A_19 : vector<1x64x96xf32> to vector<64x96xf32>
    %dot_general3A_21 = arith.constant dense<0.000000e+00> : vector<80x96xf32>
    %dot_general3A_22 = tpu.matmul %get3A_15, %get3A_20, %dot_general3A_21 {dimension_numbers = #tpu.dot_dimension_numbers<[1], [0], [0], [1], [0, 0, 1, 1], [], []>, precision = #tpu.contract_precision<fp32>, transpose_lhs_hint = false} : vector<80x64xf32>, vector<64x96xf32>, vector<80x96xf32> -> vector<80x96xf32>
    %add3A_23 = arith.addf %add3A, %dot_general3A_22 : vector<80x96xf32>
    %get3A_24 = arith.constant 2 : index
    %get3A_25 = arith.constant 0 : index
    %get3A_26 = arith.constant 0 : index
    %get3A_27 = vector.load %arg1[%get3A_24, %get3A_25, %get3A_26] : memref<6x80x64xf32, #tpu.memory_space<vmem>>, vector<1x80x64xf32>
    %get3A_28 = vector.shape_cast %get3A_27 : vector<1x80x64xf32> to vector<80x64xf32>
    %get3A_29 = arith.constant 2 : index
    %get3A_30 = arith.constant 0 : index
    %get3A_31 = arith.constant 0 : index
    %get3A_32 = vector.load %arg2[%get3A_29, %get3A_30, %get3A_31] : memref<6x64x96xf32, #tpu.memory_space<vmem>>, vector<1x64x96xf32>
    %get3A_33 = vector.shape_cast %get3A_32 : vector<1x64x96xf32> to vector<64x96xf32>
    %dot_general3A_34 = arith.constant dense<0.000000e+00> : vector<80x96xf32>
    %dot_general3A_35 = tpu.matmul %get3A_28, %get3A_33, %dot_general3A_34 {dimension_numbers = #tpu.dot_dimension_numbers<[1], [0], [0], [1], [0, 0, 1, 1], [], []>, precision = #tpu.contract_precision<fp32>, transpose_lhs_hint = false} : vector<80x64xf32>, vector<64x96xf32>, vector<80x96xf32> -> vector<80x96xf32>
    %add3A_36 = arith.addf %add3A_23, %dot_general3A_35 : vector<80x96xf32>
    %get3A_37 = arith.constant 3 : index
    %get3A_38 = arith.constant 0 : index
    %get3A_39 = arith.constant 0 : index
    %get3A_40 = vector.load %arg1[%get3A_37, %get3A_38, %get3A_39] : memref<6x80x64xf32, #tpu.memory_space<vmem>>, vector<1x80x64xf32>
    %get3A_41 = vector.shape_cast %get3A_40 : vector<1x80x64xf32> to vector<80x64xf32>
    %get3A_42 = arith.constant 3 : index
    %get3A_43 = arith.constant 0 : index
    %get3A_44 = arith.constant 0 : index
    %get3A_45 = vector.load %arg2[%get3A_42, %get3A_43, %get3A_44] : memref<6x64x96xf32, #tpu.memory_space<vmem>>, vector<1x64x96xf32>
    %get3A_46 = vector.shape_cast %get3A_45 : vector<1x64x96xf32> to vector<64x96xf32>
    %dot_general3A_47 = arith.constant dense<0.000000e+00> : vector<80x96xf32>
    %dot_general3A_48 = tpu.matmul %get3A_41, %get3A_46, %dot_general3A_47 {dimension_numbers = #tpu.dot_dimension_numbers<[1], [0], [0], [1], [0, 0, 1, 1], [], []>, precision = #tpu.contract_precision<fp32>, transpose_lhs_hint = false} : vector<80x64xf32>, vector<64x96xf32>, vector<80x96xf32> -> vector<80x96xf32>
    %add3A_49 = arith.addf %add3A_36, %dot_general3A_48 : vector<80x96xf32>
    %get3A_50 = arith.constant 4 : index
    %get3A_51 = arith.constant 0 : index
    %get3A_52 = arith.constant 0 : index
    %get3A_53 = vector.load %arg1[%get3A_50, %get3A_51, %get3A_52] : memref<6x80x64xf32, #tpu.memory_space<vmem>>, vector<1x80x64xf32>
    %get3A_54 = vector.shape_cast %get3A_53 : vector<1x80x64xf32> to vector<80x64xf32>
    %get3A_55 = arith.constant 4 : index
    %get3A_56 = arith.constant 0 : index
    %get3A_57 = arith.constant 0 : index
    %get3A_58 = vector.load %arg2[%get3A_55, %get3A_56, %get3A_57] : memref<6x64x96xf32, #tpu.memory_space<vmem>>, vector<1x64x96xf32>
    %get3A_59 = vector.shape_cast %get3A_58 : vector<1x64x96xf32> to vector<64x96xf32>
    %dot_general3A_60 = arith.constant dense<0.000000e+00> : vector<80x96xf32>
    %dot_general3A_61 = tpu.matmul %get3A_54, %get3A_59, %dot_general3A_60 {dimension_numbers = #tpu.dot_dimension_numbers<[1], [0], [0], [1], [0, 0, 1, 1], [], []>, precision = #tpu.contract_precision<fp32>, transpose_lhs_hint = false} : vector<80x64xf32>, vector<64x96xf32>, vector<80x96xf32> -> vector<80x96xf32>
    %add3A_62 = arith.addf %add3A_49, %dot_general3A_61 : vector<80x96xf32>
    %get3A_63 = arith.constant 5 : index
    %get3A_64 = arith.constant 0 : index
    %get3A_65 = arith.constant 0 : index
    %get3A_66 = vector.load %arg1[%get3A_63, %get3A_64, %get3A_65] : memref<6x80x64xf32, #tpu.memory_space<vmem>>, vector<1x80x64xf32>
    %get3A_67 = vector.shape_cast %get3A_66 : vector<1x80x64xf32> to vector<80x64xf32>
    %get3A_68 = arith.constant 5 : index
    %get3A_69 = arith.constant 0 : index
    %get3A_70 = arith.constant 0 : index
    %get3A_71 = vector.load %arg2[%get3A_68, %get3A_69, %get3A_70] : memref<6x64x96xf32, #tpu.memory_space<vmem>>, vector<1x64x96xf32>
    %get3A_72 = vector.shape_cast %get3A_71 : vector<1x64x96xf32> to vector<64x96xf32>
    %dot_general3A_73 = arith.constant dense<0.000000e+00> : vector<80x96xf32>
    %dot_general3A_74 = tpu.matmul %get3A_67, %get3A_72, %dot_general3A_73 {dimension_numbers = #tpu.dot_dimension_numbers<[1], [0], [0], [1], [0, 0, 1, 1], [], []>, precision = #tpu.contract_precision<fp32>, transpose_lhs_hint = false} : vector<80x64xf32>, vector<64x96xf32>, vector<80x96xf32> -> vector<80x96xf32>
    %add3A_75 = arith.addf %add3A_62, %dot_general3A_74 : vector<80x96xf32>
    %swap3A = arith.constant 0 : index
    %swap3A_76 = arith.constant 0 : index
    %swap3A_77 = vector.load %arg3[%swap3A, %swap3A_76] : memref<80x96xf32, #tpu.memory_space<vmem>>, vector<80x96xf32>
    tpu.vector_store %arg3[%swap3A, %swap3A_76], %add3A_75 {strides = array<i32>} : memref<80x96xf32, #tpu.memory_space<vmem>>, vector<80x96xf32>,
    return
  }
  func.func @transform_0(%arg0: i32) -> (i32, i32, i32) {
    %c0_i32 = arith.constant 0 : i32
    %c0_i32_0 = arith.constant 0 : i32
    %c0_i32_1 = arith.constant 0 : i32
    return %c0_i32, %arg0, %c0_i32_0 : i32, i32, i32
  }
  func.func @transform_1(%arg0: i32) -> (i32, i32, i32) {
    %c0_i32 = arith.constant 0 : i32
    %c0_i32_0 = arith.constant 0 : i32
    %c0_i32_1 = arith.constant 0 : i32
    %c0_i32_2 = arith.constant 0 : i32
    return %c0_i32, %c0_i32_0, %c0_i32_1 : i32, i32, i32
  }
  func.func @transform_2(%arg0: i32) -> (i32, i32) {
    %c0_i32 = arith.constant 0 : i32
    %c0_i32_0 = arith.constant 0 : i32
    return %arg0, %c0_i32 : i32, i32
  }
}

module attributes {stable_mosaic.version = 14 : i64} {
  func.func @_final_body(%arg0: i32, %arg1: memref<10x80x128xf32, #tpu.memory_space<vmem>>, %arg2: memref<10x80x128xf32, #tpu.memory_space<vmem>>, %arg3: memref<80x128xf32, #tpu.memory_space<vmem>>, %arg4: memref<128x96xf32, #tpu.memory_space<vmem>>, %arg5: memref<96x3000xf32, #tpu.memory_space<vmem>>, %arg6: memref<1x3000xf32, #tpu.memory_space<vmem>>, %arg7: memref<1x3000xf32, #tpu.memory_space<vmem>>, %arg8: memref<1x3000xf32, #tpu.memory_space<vmem>>, %arg9: memref<80x96xf32, #tpu.memory_space<vmem>>, %arg10: memref<80x3000xf32, #tpu.memory_space<vmem>>, %arg11: memref<80x96xf32, #tpu.memory_space<vmem>>) attributes {dimension_semantics = [#tpu.dimension_semantics<parallel>], iteration_bounds = array<i64: 125>, scalar_prefetch = 0 : i64, scratch_operands = 0 : i64, tpu.core_type = #tpu.core_type<tc>, window_params = [{transform_indices = @transform_0, window_bounds = array<i64: 10, 80, 128>}, {transform_indices = @transform_1, window_bounds = array<i64: 10, 80, 128>}, {transform_indices = @transform_2, window_bounds = array<i64: 80, 128>}, {pipeline_mode = #tpu.pipeline_mode<synchronous>, transform_indices = @transform_3, window_bounds = array<i64: 128, 96>}, {pipeline_mode = #tpu.pipeline_mode<synchronous>, transform_indices = @transform_4, window_bounds = array<i64: 96, 3000>}, {pipeline_mode = #tpu.pipeline_mode<synchronous>, transform_indices = @transform_5, window_bounds = array<i64: 1, 3000>}, {pipeline_mode = #tpu.pipeline_mode<synchronous>, transform_indices = @transform_6, window_bounds = array<i64: 1, 3000>}, {pipeline_mode = #tpu.pipeline_mode<synchronous>, transform_indices = @transform_7, window_bounds = array<i64: 1, 3000>}, {transform_indices = @transform_8, window_bounds = array<i64: 80, 96>}, {transform_indices = @transform_9, window_bounds = array<i64: 80, 3000>}, {transform_indices = @transform_10, window_bounds = array<i64: 80, 96>}]} {
    %get3A = arith.constant 0 : index
    %get3A_0 = arith.constant 0 : index
    %get3A_1 = vector.load %arg3[%get3A, %get3A_0] : memref<80x128xf32, #tpu.memory_space<vmem>>, vector<80x128xf32>
    %get3A_2 = arith.constant 0 : index
    %get3A_3 = arith.constant 0 : index
    %get3A_4 = arith.constant 0 : index
    %get3A_5 = vector.load %arg1[%get3A_2, %get3A_3, %get3A_4] : memref<10x80x128xf32, #tpu.memory_space<vmem>>, vector<1x80x128xf32>
    %get3A_6 = vector.shape_cast %get3A_5 : vector<1x80x128xf32> to vector<80x128xf32>
    %sub3A = arith.subf %get3A_6, %get3A_1 : vector<80x128xf32>
    %mul3A = arith.mulf %sub3A, %sub3A : vector<80x128xf32>
    %reduce_sum3A = arith.constant dense<0.000000e+00> : vector<80xf32>
    %reduce_sum3A_7 = vector.multi_reduction <add>, %mul3A, %reduce_sum3A [1] : vector<80x128xf32> to vector<80xf32>
    %broadcast_in_dim3A = vector.shape_cast %reduce_sum3A_7 : vector<80xf32> to vector<80x1xf32>
    %get3A_8 = arith.constant 1 : index
    %get3A_9 = arith.constant 0 : index
    %get3A_10 = arith.constant 0 : index
    %get3A_11 = vector.load %arg1[%get3A_8, %get3A_9, %get3A_10] : memref<10x80x128xf32, #tpu.memory_space<vmem>>, vector<1x80x128xf32>
    %get3A_12 = vector.shape_cast %get3A_11 : vector<1x80x128xf32> to vector<80x128xf32>
    %sub3A_13 = arith.subf %get3A_12, %get3A_1 : vector<80x128xf32>
    %mul3A_14 = arith.mulf %sub3A_13, %sub3A_13 : vector<80x128xf32>
    %reduce_sum3A_15 = arith.constant dense<0.000000e+00> : vector<80xf32>
    %reduce_sum3A_16 = vector.multi_reduction <add>, %mul3A_14, %reduce_sum3A_15 [1] : vector<80x128xf32> to vector<80xf32>
    %broadcast_in_dim3A_17 = vector.shape_cast %reduce_sum3A_16 : vector<80xf32> to vector<80x1xf32>
    %get3A_18 = arith.constant 2 : index
    %get3A_19 = arith.constant 0 : index
    %get3A_20 = arith.constant 0 : index
    %get3A_21 = vector.load %arg1[%get3A_18, %get3A_19, %get3A_20] : memref<10x80x128xf32, #tpu.memory_space<vmem>>, vector<1x80x128xf32>
    %get3A_22 = vector.shape_cast %get3A_21 : vector<1x80x128xf32> to vector<80x128xf32>
    %sub3A_23 = arith.subf %get3A_22, %get3A_1 : vector<80x128xf32>
    %mul3A_24 = arith.mulf %sub3A_23, %sub3A_23 : vector<80x128xf32>
    %reduce_sum3A_25 = arith.constant dense<0.000000e+00> : vector<80xf32>
    %reduce_sum3A_26 = vector.multi_reduction <add>, %mul3A_24, %reduce_sum3A_25 [1] : vector<80x128xf32> to vector<80xf32>
    %broadcast_in_dim3A_27 = vector.shape_cast %reduce_sum3A_26 : vector<80xf32> to vector<80x1xf32>
    %get3A_28 = arith.constant 3 : index
    %get3A_29 = arith.constant 0 : index
    %get3A_30 = arith.constant 0 : index
    %get3A_31 = vector.load %arg1[%get3A_28, %get3A_29, %get3A_30] : memref<10x80x128xf32, #tpu.memory_space<vmem>>, vector<1x80x128xf32>
    %get3A_32 = vector.shape_cast %get3A_31 : vector<1x80x128xf32> to vector<80x128xf32>
    %sub3A_33 = arith.subf %get3A_32, %get3A_1 : vector<80x128xf32>
    %mul3A_34 = arith.mulf %sub3A_33, %sub3A_33 : vector<80x128xf32>
    %reduce_sum3A_35 = arith.constant dense<0.000000e+00> : vector<80xf32>
    %reduce_sum3A_36 = vector.multi_reduction <add>, %mul3A_34, %reduce_sum3A_35 [1] : vector<80x128xf32> to vector<80xf32>
    %broadcast_in_dim3A_37 = vector.shape_cast %reduce_sum3A_36 : vector<80xf32> to vector<80x1xf32>
    %get3A_38 = arith.constant 4 : index
    %get3A_39 = arith.constant 0 : index
    %get3A_40 = arith.constant 0 : index
    %get3A_41 = vector.load %arg1[%get3A_38, %get3A_39, %get3A_40] : memref<10x80x128xf32, #tpu.memory_space<vmem>>, vector<1x80x128xf32>
    %get3A_42 = vector.shape_cast %get3A_41 : vector<1x80x128xf32> to vector<80x128xf32>
    %sub3A_43 = arith.subf %get3A_42, %get3A_1 : vector<80x128xf32>
    %mul3A_44 = arith.mulf %sub3A_43, %sub3A_43 : vector<80x128xf32>
    %reduce_sum3A_45 = arith.constant dense<0.000000e+00> : vector<80xf32>
    %reduce_sum3A_46 = vector.multi_reduction <add>, %mul3A_44, %reduce_sum3A_45 [1] : vector<80x128xf32> to vector<80xf32>
    %broadcast_in_dim3A_47 = vector.shape_cast %reduce_sum3A_46 : vector<80xf32> to vector<80x1xf32>
    %get3A_48 = arith.constant 5 : index
    %get3A_49 = arith.constant 0 : index
    %get3A_50 = arith.constant 0 : index
    %get3A_51 = vector.load %arg1[%get3A_48, %get3A_49, %get3A_50] : memref<10x80x128xf32, #tpu.memory_space<vmem>>, vector<1x80x128xf32>
    %get3A_52 = vector.shape_cast %get3A_51 : vector<1x80x128xf32> to vector<80x128xf32>
    %sub3A_53 = arith.subf %get3A_52, %get3A_1 : vector<80x128xf32>
    %mul3A_54 = arith.mulf %sub3A_53, %sub3A_53 : vector<80x128xf32>
    %reduce_sum3A_55 = arith.constant dense<0.000000e+00> : vector<80xf32>
    %reduce_sum3A_56 = vector.multi_reduction <add>, %mul3A_54, %reduce_sum3A_55 [1] : vector<80x128xf32> to vector<80xf32>
    %broadcast_in_dim3A_57 = vector.shape_cast %reduce_sum3A_56 : vector<80xf32> to vector<80x1xf32>
    %get3A_58 = arith.constant 6 : index
    %get3A_59 = arith.constant 0 : index
    %get3A_60 = arith.constant 0 : index
    %get3A_61 = vector.load %arg1[%get3A_58, %get3A_59, %get3A_60] : memref<10x80x128xf32, #tpu.memory_space<vmem>>, vector<1x80x128xf32>
    %get3A_62 = vector.shape_cast %get3A_61 : vector<1x80x128xf32> to vector<80x128xf32>
    %sub3A_63 = arith.subf %get3A_62, %get3A_1 : vector<80x128xf32>
    %mul3A_64 = arith.mulf %sub3A_63, %sub3A_63 : vector<80x128xf32>
    %reduce_sum3A_65 = arith.constant dense<0.000000e+00> : vector<80xf32>
    %reduce_sum3A_66 = vector.multi_reduction <add>, %mul3A_64, %reduce_sum3A_65 [1] : vector<80x128xf32> to vector<80xf32>
    %broadcast_in_dim3A_67 = vector.shape_cast %reduce_sum3A_66 : vector<80xf32> to vector<80x1xf32>
    %get3A_68 = arith.constant 7 : index
    %get3A_69 = arith.constant 0 : index
    %get3A_70 = arith.constant 0 : index
    %get3A_71 = vector.load %arg1[%get3A_68, %get3A_69, %get3A_70] : memref<10x80x128xf32, #tpu.memory_space<vmem>>, vector<1x80x128xf32>
    %get3A_72 = vector.shape_cast %get3A_71 : vector<1x80x128xf32> to vector<80x128xf32>
    %sub3A_73 = arith.subf %get3A_72, %get3A_1 : vector<80x128xf32>
    %mul3A_74 = arith.mulf %sub3A_73, %sub3A_73 : vector<80x128xf32>
    %reduce_sum3A_75 = arith.constant dense<0.000000e+00> : vector<80xf32>
    %reduce_sum3A_76 = vector.multi_reduction <add>, %mul3A_74, %reduce_sum3A_75 [1] : vector<80x128xf32> to vector<80xf32>
    %broadcast_in_dim3A_77 = vector.shape_cast %reduce_sum3A_76 : vector<80xf32> to vector<80x1xf32>
    %get3A_78 = arith.constant 8 : index
    %get3A_79 = arith.constant 0 : index
    %get3A_80 = arith.constant 0 : index
    %get3A_81 = vector.load %arg1[%get3A_78, %get3A_79, %get3A_80] : memref<10x80x128xf32, #tpu.memory_space<vmem>>, vector<1x80x128xf32>
    %get3A_82 = vector.shape_cast %get3A_81 : vector<1x80x128xf32> to vector<80x128xf32>
    %sub3A_83 = arith.subf %get3A_82, %get3A_1 : vector<80x128xf32>
    %mul3A_84 = arith.mulf %sub3A_83, %sub3A_83 : vector<80x128xf32>
    %reduce_sum3A_85 = arith.constant dense<0.000000e+00> : vector<80xf32>
    %reduce_sum3A_86 = vector.multi_reduction <add>, %mul3A_84, %reduce_sum3A_85 [1] : vector<80x128xf32> to vector<80xf32>
    %broadcast_in_dim3A_87 = vector.shape_cast %reduce_sum3A_86 : vector<80xf32> to vector<80x1xf32>
    %get3A_88 = arith.constant 9 : index
    %get3A_89 = arith.constant 0 : index
    %get3A_90 = arith.constant 0 : index
    %get3A_91 = vector.load %arg1[%get3A_88, %get3A_89, %get3A_90] : memref<10x80x128xf32, #tpu.memory_space<vmem>>, vector<1x80x128xf32>
    %get3A_92 = vector.shape_cast %get3A_91 : vector<1x80x128xf32> to vector<80x128xf32>
    %sub3A_93 = arith.subf %get3A_92, %get3A_1 : vector<80x128xf32>
    %mul3A_94 = arith.mulf %sub3A_93, %sub3A_93 : vector<80x128xf32>
    %reduce_sum3A_95 = arith.constant dense<0.000000e+00> : vector<80xf32>
    %reduce_sum3A_96 = vector.multi_reduction <add>, %mul3A_94, %reduce_sum3A_95 [1] : vector<80x128xf32> to vector<80xf32>
    %broadcast_in_dim3A_97 = vector.shape_cast %reduce_sum3A_96 : vector<80xf32> to vector<80x1xf32>
    %concatenate3A = tpu.concatenate %broadcast_in_dim3A, %broadcast_in_dim3A_17, %broadcast_in_dim3A_27, %broadcast_in_dim3A_37, %broadcast_in_dim3A_47, %broadcast_in_dim3A_57, %broadcast_in_dim3A_67, %broadcast_in_dim3A_77, %broadcast_in_dim3A_87, %broadcast_in_dim3A_97 in 1 : vector<80x1xf32>, vector<80x1xf32>, vector<80x1xf32>, vector<80x1xf32>, vector<80x1xf32>, vector<80x1xf32>, vector<80x1xf32>, vector<80x1xf32>, vector<80x1xf32>, vector<80x1xf32> -> vector<80x10xf32>
    %neg3A = arith.constant 0.000000e+00 : f32
    %neg3A_98 = vector.broadcast %neg3A : f32 to vector<80x10xf32>
    %neg3A_99 = arith.subf %neg3A_98, %concatenate3A : vector<80x10xf32>
    %reduce_max3A = arith.constant dense<0xFF800000> : vector<80xf32>
    %reduce_max3A_100 = vector.multi_reduction <maximumf>, %neg3A_99, %reduce_max3A [1] : vector<80x10xf32> to vector<80xf32>
    %max3A = arith.constant 0xFF800000 : f32
    %max3A_101 = vector.broadcast %max3A : f32 to vector<80xf32>
    %max3A_102 = arith.maximumf %max3A_101, %reduce_max3A_100 : vector<80xf32>
    %broadcast_in_dim3A_103 = vector.shape_cast %max3A_102 : vector<80xf32> to vector<80x1xf32>
    %sub3A_104 = vector.broadcast %broadcast_in_dim3A_103 : vector<80x1xf32> to vector<80x10xf32>
    %sub3A_105 = arith.subf %neg3A_99, %sub3A_104 : vector<80x10xf32>
    %exp3A = math.exp %sub3A_105 : vector<80x10xf32>
    %reduce_sum3A_106 = arith.constant dense<0.000000e+00> : vector<80xf32>
    %reduce_sum3A_107 = vector.multi_reduction <add>, %exp3A, %reduce_sum3A_106 [1] : vector<80x10xf32> to vector<80xf32>
    %broadcast_in_dim3A_108 = vector.shape_cast %reduce_sum3A_107 : vector<80xf32> to vector<80x1xf32>
    %div3A = vector.broadcast %broadcast_in_dim3A_108 : vector<80x1xf32> to vector<80x10xf32>
    %div3A_109 = arith.divf %exp3A, %div3A : vector<80x10xf32>
    %broadcast_in_dim3A_110 = arith.constant 0.000000e+00 : f32
    %broadcast_in_dim3A_111 = vector.broadcast %broadcast_in_dim3A_110 : f32 to vector<80x128xf32>
    %broadcast_in_dim3A_112 = arith.constant 0.000000e+00 : f32
    %broadcast_in_dim3A_113 = vector.broadcast %broadcast_in_dim3A_112 : f32 to vector<80x128xf32>
    %slice3A = vector.extract_strided_slice %div3A_109 {offsets = [0, 0], sizes = [80, 1], strides = [1, 1]} : vector<80x10xf32> to vector<80x1xf32>
    %convert_element_type3A = arith.truncf %slice3A : vector<80x1xf32> to vector<80x1xbf16>
    %convert_element_type3A_114 = arith.extf %convert_element_type3A : vector<80x1xbf16> to vector<80x1xf32>
    %get3A_115 = arith.constant 0 : index
    %get3A_116 = arith.constant 0 : index
    %get3A_117 = arith.constant 0 : index
    %get3A_118 = vector.load %arg1[%get3A_115, %get3A_116, %get3A_117] : memref<10x80x128xf32, #tpu.memory_space<vmem>>, vector<1x80x128xf32>
    %get3A_119 = vector.shape_cast %get3A_118 : vector<1x80x128xf32> to vector<80x128xf32>
    %convert_element_type3A_120 = arith.truncf %get3A_119 : vector<80x128xf32> to vector<80x128xbf16>
    %convert_element_type3A_121 = arith.extf %convert_element_type3A_120 : vector<80x128xbf16> to vector<80x128xf32>
    %mul3A_122 = vector.broadcast %convert_element_type3A_114 : vector<80x1xf32> to vector<80x128xf32>
    %mul3A_123 = arith.mulf %mul3A_122, %convert_element_type3A_121 : vector<80x128xf32>
    %add3A = arith.addf %broadcast_in_dim3A_111, %mul3A_123 : vector<80x128xf32>
    %get3A_124 = arith.constant 0 : index
    %get3A_125 = arith.constant 0 : index
    %get3A_126 = arith.constant 0 : index
    %get3A_127 = vector.load %arg2[%get3A_124, %get3A_125, %get3A_126] : memref<10x80x128xf32, #tpu.memory_space<vmem>>, vector<1x80x128xf32>
    %get3A_128 = vector.shape_cast %get3A_127 : vector<1x80x128xf32> to vector<80x128xf32>
    %convert_element_type3A_129 = arith.truncf %get3A_128 : vector<80x128xf32> to vector<80x128xbf16>
    %convert_element_type3A_130 = arith.extf %convert_element_type3A_129 : vector<80x128xbf16> to vector<80x128xf32>
    %mul3A_131 = vector.broadcast %convert_element_type3A_114 : vector<80x1xf32> to vector<80x128xf32>
    %mul3A_132 = arith.mulf %mul3A_131, %convert_element_type3A_130 : vector<80x128xf32>
    %add3A_133 = arith.addf %broadcast_in_dim3A_113, %mul3A_132 : vector<80x128xf32>
    %slice3A_134 = vector.extract_strided_slice %div3A_109 {offsets = [0, 1], sizes = [80, 1], strides = [1, 1]} : vector<80x10xf32> to vector<80x1xf32>
    %convert_element_type3A_135 = arith.truncf %slice3A_134 : vector<80x1xf32> to vector<80x1xbf16>
    %convert_element_type3A_136 = arith.extf %convert_element_type3A_135 : vector<80x1xbf16> to vector<80x1xf32>
    %get3A_137 = arith.constant 1 : index
    %get3A_138 = arith.constant 0 : index
    %get3A_139 = arith.constant 0 : index
    %get3A_140 = vector.load %arg1[%get3A_137, %get3A_138, %get3A_139] : memref<10x80x128xf32, #tpu.memory_space<vmem>>, vector<1x80x128xf32>
    %get3A_141 = vector.shape_cast %get3A_140 : vector<1x80x128xf32> to vector<80x128xf32>
    %convert_element_type3A_142 = arith.truncf %get3A_141 : vector<80x128xf32> to vector<80x128xbf16>
    %convert_element_type3A_143 = arith.extf %convert_element_type3A_142 : vector<80x128xbf16> to vector<80x128xf32>
    %mul3A_144 = vector.broadcast %convert_element_type3A_136 : vector<80x1xf32> to vector<80x128xf32>
    %mul3A_145 = arith.mulf %mul3A_144, %convert_element_type3A_143 : vector<80x128xf32>
    %add3A_146 = arith.addf %add3A, %mul3A_145 : vector<80x128xf32>
    %get3A_147 = arith.constant 1 : index
    %get3A_148 = arith.constant 0 : index
    %get3A_149 = arith.constant 0 : index
    %get3A_150 = vector.load %arg2[%get3A_147, %get3A_148, %get3A_149] : memref<10x80x128xf32, #tpu.memory_space<vmem>>, vector<1x80x128xf32>
    %get3A_151 = vector.shape_cast %get3A_150 : vector<1x80x128xf32> to vector<80x128xf32>
    %convert_element_type3A_152 = arith.truncf %get3A_151 : vector<80x128xf32> to vector<80x128xbf16>
    %convert_element_type3A_153 = arith.extf %convert_element_type3A_152 : vector<80x128xbf16> to vector<80x128xf32>
    %mul3A_154 = vector.broadcast %convert_element_type3A_136 : vector<80x1xf32> to vector<80x128xf32>
    %mul3A_155 = arith.mulf %mul3A_154, %convert_element_type3A_153 : vector<80x128xf32>
    %add3A_156 = arith.addf %add3A_133, %mul3A_155 : vector<80x128xf32>
    %slice3A_157 = vector.extract_strided_slice %div3A_109 {offsets = [0, 2], sizes = [80, 1], strides = [1, 1]} : vector<80x10xf32> to vector<80x1xf32>
    %convert_element_type3A_158 = arith.truncf %slice3A_157 : vector<80x1xf32> to vector<80x1xbf16>
    %convert_element_type3A_159 = arith.extf %convert_element_type3A_158 : vector<80x1xbf16> to vector<80x1xf32>
    %get3A_160 = arith.constant 2 : index
    %get3A_161 = arith.constant 0 : index
    %get3A_162 = arith.constant 0 : index
    %get3A_163 = vector.load %arg1[%get3A_160, %get3A_161, %get3A_162] : memref<10x80x128xf32, #tpu.memory_space<vmem>>, vector<1x80x128xf32>
    %get3A_164 = vector.shape_cast %get3A_163 : vector<1x80x128xf32> to vector<80x128xf32>
    %convert_element_type3A_165 = arith.truncf %get3A_164 : vector<80x128xf32> to vector<80x128xbf16>
    %convert_element_type3A_166 = arith.extf %convert_element_type3A_165 : vector<80x128xbf16> to vector<80x128xf32>
    %mul3A_167 = vector.broadcast %convert_element_type3A_159 : vector<80x1xf32> to vector<80x128xf32>
    %mul3A_168 = arith.mulf %mul3A_167, %convert_element_type3A_166 : vector<80x128xf32>
    %add3A_169 = arith.addf %add3A_146, %mul3A_168 : vector<80x128xf32>
    %get3A_170 = arith.constant 2 : index
    %get3A_171 = arith.constant 0 : index
    %get3A_172 = arith.constant 0 : index
    %get3A_173 = vector.load %arg2[%get3A_170, %get3A_171, %get3A_172] : memref<10x80x128xf32, #tpu.memory_space<vmem>>, vector<1x80x128xf32>
    %get3A_174 = vector.shape_cast %get3A_173 : vector<1x80x128xf32> to vector<80x128xf32>
    %convert_element_type3A_175 = arith.truncf %get3A_174 : vector<80x128xf32> to vector<80x128xbf16>
    %convert_element_type3A_176 = arith.extf %convert_element_type3A_175 : vector<80x128xbf16> to vector<80x128xf32>
    %mul3A_177 = vector.broadcast %convert_element_type3A_159 : vector<80x1xf32> to vector<80x128xf32>
    %mul3A_178 = arith.mulf %mul3A_177, %convert_element_type3A_176 : vector<80x128xf32>
    %add3A_179 = arith.addf %add3A_156, %mul3A_178 : vector<80x128xf32>
    %slice3A_180 = vector.extract_strided_slice %div3A_109 {offsets = [0, 3], sizes = [80, 1], strides = [1, 1]} : vector<80x10xf32> to vector<80x1xf32>
    %convert_element_type3A_181 = arith.truncf %slice3A_180 : vector<80x1xf32> to vector<80x1xbf16>
    %convert_element_type3A_182 = arith.extf %convert_element_type3A_181 : vector<80x1xbf16> to vector<80x1xf32>
    %get3A_183 = arith.constant 3 : index
    %get3A_184 = arith.constant 0 : index
    %get3A_185 = arith.constant 0 : index
    %get3A_186 = vector.load %arg1[%get3A_183, %get3A_184, %get3A_185] : memref<10x80x128xf32, #tpu.memory_space<vmem>>, vector<1x80x128xf32>
    %get3A_187 = vector.shape_cast %get3A_186 : vector<1x80x128xf32> to vector<80x128xf32>
    %convert_element_type3A_188 = arith.truncf %get3A_187 : vector<80x128xf32> to vector<80x128xbf16>
    %convert_element_type3A_189 = arith.extf %convert_element_type3A_188 : vector<80x128xbf16> to vector<80x128xf32>
    %mul3A_190 = vector.broadcast %convert_element_type3A_182 : vector<80x1xf32> to vector<80x128xf32>
    %mul3A_191 = arith.mulf %mul3A_190, %convert_element_type3A_189 : vector<80x128xf32>
    %add3A_192 = arith.addf %add3A_169, %mul3A_191 : vector<80x128xf32>
    %get3A_193 = arith.constant 3 : index
    %get3A_194 = arith.constant 0 : index
    %get3A_195 = arith.constant 0 : index
    %get3A_196 = vector.load %arg2[%get3A_193, %get3A_194, %get3A_195] : memref<10x80x128xf32, #tpu.memory_space<vmem>>, vector<1x80x128xf32>
    %get3A_197 = vector.shape_cast %get3A_196 : vector<1x80x128xf32> to vector<80x128xf32>
    %convert_element_type3A_198 = arith.truncf %get3A_197 : vector<80x128xf32> to vector<80x128xbf16>
    %convert_element_type3A_199 = arith.extf %convert_element_type3A_198 : vector<80x128xbf16> to vector<80x128xf32>
    %mul3A_200 = vector.broadcast %convert_element_type3A_182 : vector<80x1xf32> to vector<80x128xf32>
    %mul3A_201 = arith.mulf %mul3A_200, %convert_element_type3A_199 : vector<80x128xf32>
    %add3A_202 = arith.addf %add3A_179, %mul3A_201 : vector<80x128xf32>
    %slice3A_203 = vector.extract_strided_slice %div3A_109 {offsets = [0, 4], sizes = [80, 1], strides = [1, 1]} : vector<80x10xf32> to vector<80x1xf32>
    %convert_element_type3A_204 = arith.truncf %slice3A_203 : vector<80x1xf32> to vector<80x1xbf16>
    %convert_element_type3A_205 = arith.extf %convert_element_type3A_204 : vector<80x1xbf16> to vector<80x1xf32>
    %get3A_206 = arith.constant 4 : index
    %get3A_207 = arith.constant 0 : index
    %get3A_208 = arith.constant 0 : index
    %get3A_209 = vector.load %arg1[%get3A_206, %get3A_207, %get3A_208] : memref<10x80x128xf32, #tpu.memory_space<vmem>>, vector<1x80x128xf32>
    %get3A_210 = vector.shape_cast %get3A_209 : vector<1x80x128xf32> to vector<80x128xf32>
    %convert_element_type3A_211 = arith.truncf %get3A_210 : vector<80x128xf32> to vector<80x128xbf16>
    %convert_element_type3A_212 = arith.extf %convert_element_type3A_211 : vector<80x128xbf16> to vector<80x128xf32>
    %mul3A_213 = vector.broadcast %convert_element_type3A_205 : vector<80x1xf32> to vector<80x128xf32>
    %mul3A_214 = arith.mulf %mul3A_213, %convert_element_type3A_212 : vector<80x128xf32>
    %add3A_215 = arith.addf %add3A_192, %mul3A_214 : vector<80x128xf32>
    %get3A_216 = arith.constant 4 : index
    %get3A_217 = arith.constant 0 : index
    %get3A_218 = arith.constant 0 : index
    %get3A_219 = vector.load %arg2[%get3A_216, %get3A_217, %get3A_218] : memref<10x80x128xf32, #tpu.memory_space<vmem>>, vector<1x80x128xf32>
    %get3A_220 = vector.shape_cast %get3A_219 : vector<1x80x128xf32> to vector<80x128xf32>
    %convert_element_type3A_221 = arith.truncf %get3A_220 : vector<80x128xf32> to vector<80x128xbf16>
    %convert_element_type3A_222 = arith.extf %convert_element_type3A_221 : vector<80x128xbf16> to vector<80x128xf32>
    %mul3A_223 = vector.broadcast %convert_element_type3A_205 : vector<80x1xf32> to vector<80x128xf32>
    %mul3A_224 = arith.mulf %mul3A_223, %convert_element_type3A_222 : vector<80x128xf32>
    %add3A_225 = arith.addf %add3A_202, %mul3A_224 : vector<80x128xf32>
    %slice3A_226 = vector.extract_strided_slice %div3A_109 {offsets = [0, 5], sizes = [80, 1], strides = [1, 1]} : vector<80x10xf32> to vector<80x1xf32>
    %convert_element_type3A_227 = arith.truncf %slice3A_226 : vector<80x1xf32> to vector<80x1xbf16>
    %convert_element_type3A_228 = arith.extf %convert_element_type3A_227 : vector<80x1xbf16> to vector<80x1xf32>
    %get3A_229 = arith.constant 5 : index
    %get3A_230 = arith.constant 0 : index
    %get3A_231 = arith.constant 0 : index
    %get3A_232 = vector.load %arg1[%get3A_229, %get3A_230, %get3A_231] : memref<10x80x128xf32, #tpu.memory_space<vmem>>, vector<1x80x128xf32>
    %get3A_233 = vector.shape_cast %get3A_232 : vector<1x80x128xf32> to vector<80x128xf32>
    %convert_element_type3A_234 = arith.truncf %get3A_233 : vector<80x128xf32> to vector<80x128xbf16>
    %convert_element_type3A_235 = arith.extf %convert_element_type3A_234 : vector<80x128xbf16> to vector<80x128xf32>
    %mul3A_236 = vector.broadcast %convert_element_type3A_228 : vector<80x1xf32> to vector<80x128xf32>
    %mul3A_237 = arith.mulf %mul3A_236, %convert_element_type3A_235 : vector<80x128xf32>
    %add3A_238 = arith.addf %add3A_215, %mul3A_237 : vector<80x128xf32>
    %get3A_239 = arith.constant 5 : index
    %get3A_240 = arith.constant 0 : index
    %get3A_241 = arith.constant 0 : index
    %get3A_242 = vector.load %arg2[%get3A_239, %get3A_240, %get3A_241] : memref<10x80x128xf32, #tpu.memory_space<vmem>>, vector<1x80x128xf32>
    %get3A_243 = vector.shape_cast %get3A_242 : vector<1x80x128xf32> to vector<80x128xf32>
    %convert_element_type3A_244 = arith.truncf %get3A_243 : vector<80x128xf32> to vector<80x128xbf16>
    %convert_element_type3A_245 = arith.extf %convert_element_type3A_244 : vector<80x128xbf16> to vector<80x128xf32>
    %mul3A_246 = vector.broadcast %convert_element_type3A_228 : vector<80x1xf32> to vector<80x128xf32>
    %mul3A_247 = arith.mulf %mul3A_246, %convert_element_type3A_245 : vector<80x128xf32>
    %add3A_248 = arith.addf %add3A_225, %mul3A_247 : vector<80x128xf32>
    %slice3A_249 = vector.extract_strided_slice %div3A_109 {offsets = [0, 6], sizes = [80, 1], strides = [1, 1]} : vector<80x10xf32> to vector<80x1xf32>
    %convert_element_type3A_250 = arith.truncf %slice3A_249 : vector<80x1xf32> to vector<80x1xbf16>
    %convert_element_type3A_251 = arith.extf %convert_element_type3A_250 : vector<80x1xbf16> to vector<80x1xf32>
    %get3A_252 = arith.constant 6 : index
    %get3A_253 = arith.constant 0 : index
    %get3A_254 = arith.constant 0 : index
    %get3A_255 = vector.load %arg1[%get3A_252, %get3A_253, %get3A_254] : memref<10x80x128xf32, #tpu.memory_space<vmem>>, vector<1x80x128xf32>
    %get3A_256 = vector.shape_cast %get3A_255 : vector<1x80x128xf32> to vector<80x128xf32>
    %convert_element_type3A_257 = arith.truncf %get3A_256 : vector<80x128xf32> to vector<80x128xbf16>
    %convert_element_type3A_258 = arith.extf %convert_element_type3A_257 : vector<80x128xbf16> to vector<80x128xf32>
    %mul3A_259 = vector.broadcast %convert_element_type3A_251 : vector<80x1xf32> to vector<80x128xf32>
    %mul3A_260 = arith.mulf %mul3A_259, %convert_element_type3A_258 : vector<80x128xf32>
    %add3A_261 = arith.addf %add3A_238, %mul3A_260 : vector<80x128xf32>
    %get3A_262 = arith.constant 6 : index
    %get3A_263 = arith.constant 0 : index
    %get3A_264 = arith.constant 0 : index
    %get3A_265 = vector.load %arg2[%get3A_262, %get3A_263, %get3A_264] : memref<10x80x128xf32, #tpu.memory_space<vmem>>, vector<1x80x128xf32>
    %get3A_266 = vector.shape_cast %get3A_265 : vector<1x80x128xf32> to vector<80x128xf32>
    %convert_element_type3A_267 = arith.truncf %get3A_266 : vector<80x128xf32> to vector<80x128xbf16>
    %convert_element_type3A_268 = arith.extf %convert_element_type3A_267 : vector<80x128xbf16> to vector<80x128xf32>
    %mul3A_269 = vector.broadcast %convert_element_type3A_251 : vector<80x1xf32> to vector<80x128xf32>
    %mul3A_270 = arith.mulf %mul3A_269, %convert_element_type3A_268 : vector<80x128xf32>
    %add3A_271 = arith.addf %add3A_248, %mul3A_270 : vector<80x128xf32>
    %slice3A_272 = vector.extract_strided_slice %div3A_109 {offsets = [0, 7], sizes = [80, 1], strides = [1, 1]} : vector<80x10xf32> to vector<80x1xf32>
    %convert_element_type3A_273 = arith.truncf %slice3A_272 : vector<80x1xf32> to vector<80x1xbf16>
    %convert_element_type3A_274 = arith.extf %convert_element_type3A_273 : vector<80x1xbf16> to vector<80x1xf32>
    %get3A_275 = arith.constant 7 : index
    %get3A_276 = arith.constant 0 : index
    %get3A_277 = arith.constant 0 : index
    %get3A_278 = vector.load %arg1[%get3A_275, %get3A_276, %get3A_277] : memref<10x80x128xf32, #tpu.memory_space<vmem>>, vector<1x80x128xf32>
    %get3A_279 = vector.shape_cast %get3A_278 : vector<1x80x128xf32> to vector<80x128xf32>
    %convert_element_type3A_280 = arith.truncf %get3A_279 : vector<80x128xf32> to vector<80x128xbf16>
    %convert_element_type3A_281 = arith.extf %convert_element_type3A_280 : vector<80x128xbf16> to vector<80x128xf32>
    %mul3A_282 = vector.broadcast %convert_element_type3A_274 : vector<80x1xf32> to vector<80x128xf32>
    %mul3A_283 = arith.mulf %mul3A_282, %convert_element_type3A_281 : vector<80x128xf32>
    %add3A_284 = arith.addf %add3A_261, %mul3A_283 : vector<80x128xf32>
    %get3A_285 = arith.constant 7 : index
    %get3A_286 = arith.constant 0 : index
    %get3A_287 = arith.constant 0 : index
    %get3A_288 = vector.load %arg2[%get3A_285, %get3A_286, %get3A_287] : memref<10x80x128xf32, #tpu.memory_space<vmem>>, vector<1x80x128xf32>
    %get3A_289 = vector.shape_cast %get3A_288 : vector<1x80x128xf32> to vector<80x128xf32>
    %convert_element_type3A_290 = arith.truncf %get3A_289 : vector<80x128xf32> to vector<80x128xbf16>
    %convert_element_type3A_291 = arith.extf %convert_element_type3A_290 : vector<80x128xbf16> to vector<80x128xf32>
    %mul3A_292 = vector.broadcast %convert_element_type3A_274 : vector<80x1xf32> to vector<80x128xf32>
    %mul3A_293 = arith.mulf %mul3A_292, %convert_element_type3A_291 : vector<80x128xf32>
    %add3A_294 = arith.addf %add3A_271, %mul3A_293 : vector<80x128xf32>
    %slice3A_295 = vector.extract_strided_slice %div3A_109 {offsets = [0, 8], sizes = [80, 1], strides = [1, 1]} : vector<80x10xf32> to vector<80x1xf32>
    %convert_element_type3A_296 = arith.truncf %slice3A_295 : vector<80x1xf32> to vector<80x1xbf16>
    %convert_element_type3A_297 = arith.extf %convert_element_type3A_296 : vector<80x1xbf16> to vector<80x1xf32>
    %get3A_298 = arith.constant 8 : index
    %get3A_299 = arith.constant 0 : index
    %get3A_300 = arith.constant 0 : index
    %get3A_301 = vector.load %arg1[%get3A_298, %get3A_299, %get3A_300] : memref<10x80x128xf32, #tpu.memory_space<vmem>>, vector<1x80x128xf32>
    %get3A_302 = vector.shape_cast %get3A_301 : vector<1x80x128xf32> to vector<80x128xf32>
    %convert_element_type3A_303 = arith.truncf %get3A_302 : vector<80x128xf32> to vector<80x128xbf16>
    %convert_element_type3A_304 = arith.extf %convert_element_type3A_303 : vector<80x128xbf16> to vector<80x128xf32>
    %mul3A_305 = vector.broadcast %convert_element_type3A_297 : vector<80x1xf32> to vector<80x128xf32>
    %mul3A_306 = arith.mulf %mul3A_305, %convert_element_type3A_304 : vector<80x128xf32>
    %add3A_307 = arith.addf %add3A_284, %mul3A_306 : vector<80x128xf32>
    %get3A_308 = arith.constant 8 : index
    %get3A_309 = arith.constant 0 : index
    %get3A_310 = arith.constant 0 : index
    %get3A_311 = vector.load %arg2[%get3A_308, %get3A_309, %get3A_310] : memref<10x80x128xf32, #tpu.memory_space<vmem>>, vector<1x80x128xf32>
    %get3A_312 = vector.shape_cast %get3A_311 : vector<1x80x128xf32> to vector<80x128xf32>
    %convert_element_type3A_313 = arith.truncf %get3A_312 : vector<80x128xf32> to vector<80x128xbf16>
    %convert_element_type3A_314 = arith.extf %convert_element_type3A_313 : vector<80x128xbf16> to vector<80x128xf32>
    %mul3A_315 = vector.broadcast %convert_element_type3A_297 : vector<80x1xf32> to vector<80x128xf32>
    %mul3A_316 = arith.mulf %mul3A_315, %convert_element_type3A_314 : vector<80x128xf32>
    %add3A_317 = arith.addf %add3A_294, %mul3A_316 : vector<80x128xf32>
    %slice3A_318 = vector.extract_strided_slice %div3A_109 {offsets = [0, 9], sizes = [80, 1], strides = [1, 1]} : vector<80x10xf32> to vector<80x1xf32>
    %convert_element_type3A_319 = arith.truncf %slice3A_318 : vector<80x1xf32> to vector<80x1xbf16>
    %convert_element_type3A_320 = arith.extf %convert_element_type3A_319 : vector<80x1xbf16> to vector<80x1xf32>
    %get3A_321 = arith.constant 9 : index
    %get3A_322 = arith.constant 0 : index
    %get3A_323 = arith.constant 0 : index
    %get3A_324 = vector.load %arg1[%get3A_321, %get3A_322, %get3A_323] : memref<10x80x128xf32, #tpu.memory_space<vmem>>, vector<1x80x128xf32>
    %get3A_325 = vector.shape_cast %get3A_324 : vector<1x80x128xf32> to vector<80x128xf32>
    %convert_element_type3A_326 = arith.truncf %get3A_325 : vector<80x128xf32> to vector<80x128xbf16>
    %convert_element_type3A_327 = arith.extf %convert_element_type3A_326 : vector<80x128xbf16> to vector<80x128xf32>
    %mul3A_328 = vector.broadcast %convert_element_type3A_320 : vector<80x1xf32> to vector<80x128xf32>
    %mul3A_329 = arith.mulf %mul3A_328, %convert_element_type3A_327 : vector<80x128xf32>
    %add3A_330 = arith.addf %add3A_307, %mul3A_329 : vector<80x128xf32>
    %get3A_331 = arith.constant 9 : index
    %get3A_332 = arith.constant 0 : index
    %get3A_333 = arith.constant 0 : index
    %get3A_334 = vector.load %arg2[%get3A_331, %get3A_332, %get3A_333] : memref<10x80x128xf32, #tpu.memory_space<vmem>>, vector<1x80x128xf32>
    %get3A_335 = vector.shape_cast %get3A_334 : vector<1x80x128xf32> to vector<80x128xf32>
    %convert_element_type3A_336 = arith.truncf %get3A_335 : vector<80x128xf32> to vector<80x128xbf16>
    %convert_element_type3A_337 = arith.extf %convert_element_type3A_336 : vector<80x128xbf16> to vector<80x128xf32>
    %mul3A_338 = vector.broadcast %convert_element_type3A_320 : vector<80x1xf32> to vector<80x128xf32>
    %mul3A_339 = arith.mulf %mul3A_338, %convert_element_type3A_337 : vector<80x128xf32>
    %add3A_340 = arith.addf %add3A_317, %mul3A_339 : vector<80x128xf32>
    %get3A_341 = arith.constant 0 : index
    %get3A_342 = arith.constant 0 : index
    %get3A_343 = vector.load %arg4[%get3A_341, %get3A_342] : memref<128x96xf32, #tpu.memory_space<vmem>>, vector<128x96xf32>
    %convert_element_type3A_344 = arith.truncf %add3A_330 : vector<80x128xf32> to vector<80x128xbf16>
    %convert_element_type3A_345 = arith.truncf %get3A_343 : vector<128x96xf32> to vector<128x96xbf16>
    %dot_general3A = arith.constant dense<0.000000e+00> : vector<80x96xf32>
    %dot_general3A_346 = tpu.matmul %convert_element_type3A_344, %convert_element_type3A_345, %dot_general3A {dimension_numbers = #tpu.dot_dimension_numbers<[1], [0], [0], [1], [0, 0, 1, 1], [], []>, transpose_lhs_hint = false} : vector<80x128xbf16>, vector<128x96xbf16>, vector<80x96xf32> -> vector<80x96xf32>
    %swap3A = arith.constant 0 : index
    %swap3A_347 = arith.constant 0 : index
    %swap3A_348 = vector.load %arg9[%swap3A, %swap3A_347] : memref<80x96xf32, #tpu.memory_space<vmem>>, vector<80x96xf32>
    tpu.vector_store %arg9[%swap3A, %swap3A_347], %dot_general3A_346 {strides = array<i32>} : memref<80x96xf32, #tpu.memory_space<vmem>>, vector<80x96xf32>,
    %slice3A_349 = vector.extract_strided_slice %add3A_340 {offsets = [0, 0], sizes = [80, 96], strides = [1, 1]} : vector<80x128xf32> to vector<80x96xf32>
    %swap3A_350 = arith.constant 0 : index
    %swap3A_351 = arith.constant 0 : index
    %swap3A_352 = vector.load %arg11[%swap3A_350, %swap3A_351] : memref<80x96xf32, #tpu.memory_space<vmem>>, vector<80x96xf32>
    tpu.vector_store %arg11[%swap3A_350, %swap3A_351], %slice3A_349 {strides = array<i32>} : memref<80x96xf32, #tpu.memory_space<vmem>>, vector<80x96xf32>,
    %get3A_353 = arith.constant 0 : index
    %get3A_354 = arith.constant 0 : index
    %get3A_355 = vector.load %arg5[%get3A_353, %get3A_354] : memref<96x3000xf32, #tpu.memory_space<vmem>>, vector<96x3000xf32>
    %convert_element_type3A_356 = arith.truncf %dot_general3A_346 : vector<80x96xf32> to vector<80x96xbf16>
    %convert_element_type3A_357 = arith.truncf %get3A_355 : vector<96x3000xf32> to vector<96x3000xbf16>
    %dot_general3A_358 = arith.constant dense<0.000000e+00> : vector<80x3000xf32>
    %dot_general3A_359 = tpu.matmul %convert_element_type3A_356, %convert_element_type3A_357, %dot_general3A_358 {dimension_numbers = #tpu.dot_dimension_numbers<[1], [0], [0], [1], [0, 0, 1, 1], [], []>, transpose_lhs_hint = false} : vector<80x96xbf16>, vector<96x3000xbf16>, vector<80x3000xf32> -> vector<80x3000xf32>
    %get3A_360 = arith.constant 0 : index
    %get3A_361 = arith.constant 0 : index
    %get3A_362 = vector.load %arg6[%get3A_360, %get3A_361] : memref<1x3000xf32, #tpu.memory_space<vmem>>, vector<1x3000xf32>
    %add3A_363 = vector.broadcast %get3A_362 : vector<1x3000xf32> to vector<80x3000xf32>
    %add3A_364 = arith.addf %dot_general3A_359, %add3A_363 : vector<80x3000xf32>
    %sqrt3A = arith.constant 1.000100e+00 : f32
    %sqrt3A_365 = math.sqrt %sqrt3A : f32
    %div3A_366 = vector.broadcast %sqrt3A_365 : f32 to vector<80x3000xf32>
    %div3A_367 = arith.divf %add3A_364, %div3A_366 : vector<80x3000xf32>
    %get3A_368 = arith.constant 0 : index
    %get3A_369 = arith.constant 0 : index
    %get3A_370 = vector.load %arg7[%get3A_368, %get3A_369] : memref<1x3000xf32, #tpu.memory_space<vmem>>, vector<1x3000xf32>
    %mul3A_371 = vector.broadcast %get3A_370 : vector<1x3000xf32> to vector<80x3000xf32>
    %mul3A_372 = arith.mulf %div3A_367, %mul3A_371 : vector<80x3000xf32>
    %get3A_373 = arith.constant 0 : index
    %get3A_374 = arith.constant 0 : index
    %get3A_375 = vector.load %arg8[%get3A_373, %get3A_374] : memref<1x3000xf32, #tpu.memory_space<vmem>>, vector<1x3000xf32>
    %add3A_376 = vector.broadcast %get3A_375 : vector<1x3000xf32> to vector<80x3000xf32>
    %add3A_377 = arith.addf %mul3A_372, %add3A_376 : vector<80x3000xf32>
    %gt3A = arith.constant 0.000000e+00 : f32
    %gt3A_378 = vector.broadcast %gt3A : f32 to vector<80x3000xf32>
    %gt3A_379 = arith.cmpf ogt, %add3A_377, %gt3A_378 : vector<80x3000xf32>
    %min3A = arith.constant 0.000000e+00 : f32
    %min3A_380 = vector.broadcast %min3A : f32 to vector<80x3000xf32>
    %min3A_381 = arith.minimumf %add3A_377, %min3A_380 : vector<80x3000xf32>
    %exp3A_382 = math.exp %min3A_381 : vector<80x3000xf32>
    %sub3A_383 = arith.constant 1.000000e+00 : f32
    %sub3A_384 = vector.broadcast %sub3A_383 : f32 to vector<80x3000xf32>
    %sub3A_385 = arith.subf %exp3A_382, %sub3A_384 : vector<80x3000xf32>
    %select_n3A = arith.select %gt3A_379, %add3A_377, %sub3A_385 : vector<80x3000xi1>, vector<80x3000xf32>
    %swap3A_386 = arith.constant 0 : index
    %swap3A_387 = arith.constant 0 : index
    %swap3A_388 = vector.load %arg10[%swap3A_386, %swap3A_387] : memref<80x3000xf32, #tpu.memory_space<vmem>>, vector<80x3000xf32>
    tpu.vector_store %arg10[%swap3A_386, %swap3A_387], %select_n3A {strides = array<i32>} : memref<80x3000xf32, #tpu.memory_space<vmem>>, vector<80x3000xf32>,
    return
  }
  func.func @transform_0(%arg0: i32) -> (i32, i32, i32) {
    %c0_i32 = arith.constant 0 : i32
    %c0_i32_0 = arith.constant 0 : i32
    %c0_i32_1 = arith.constant 0 : i32
    return %c0_i32, %arg0, %c0_i32_0 : i32, i32, i32
  }
  func.func @transform_1(%arg0: i32) -> (i32, i32, i32) {
    %c0_i32 = arith.constant 0 : i32
    %c0_i32_0 = arith.constant 0 : i32
    %c0_i32_1 = arith.constant 0 : i32
    return %c0_i32, %arg0, %c0_i32_0 : i32, i32, i32
  }
  func.func @transform_2(%arg0: i32) -> (i32, i32) {
    %c0_i32 = arith.constant 0 : i32
    %c0_i32_0 = arith.constant 0 : i32
    return %arg0, %c0_i32 : i32, i32
  }
  func.func @transform_3(%arg0: i32) -> (i32, i32) {
    %c0_i32 = arith.constant 0 : i32
    %c0_i32_0 = arith.constant 0 : i32
    %c0_i32_1 = arith.constant 0 : i32
    return %c0_i32, %c0_i32_0 : i32, i32
  }
  func.func @transform_4(%arg0: i32) -> (i32, i32) {
    %c0_i32 = arith.constant 0 : i32
    %c0_i32_0 = arith.constant 0 : i32
    %c0_i32_1 = arith.constant 0 : i32
    return %c0_i32, %c0_i32_0 : i32, i32
  }
  func.func @transform_5(%arg0: i32) -> (i32, i32) {
    %c0_i32 = arith.constant 0 : i32
    %c0_i32_0 = arith.constant 0 : i32
    %c0_i32_1 = arith.constant 0 : i32
    return %c0_i32, %c0_i32_0 : i32, i32
  }
  func.func @transform_6(%arg0: i32) -> (i32, i32) {
    %c0_i32 = arith.constant 0 : i32
    %c0_i32_0 = arith.constant 0 : i32
    %c0_i32_1 = arith.constant 0 : i32
    return %c0_i32, %c0_i32_0 : i32, i32
  }
  func.func @transform_7(%arg0: i32) -> (i32, i32) {
    %c0_i32 = arith.constant 0 : i32
    %c0_i32_0 = arith.constant 0 : i32
    %c0_i32_1 = arith.constant 0 : i32
    return %c0_i32, %c0_i32_0 : i32, i32
  }
  func.func @transform_8(%arg0: i32) -> (i32, i32) {
    %c0_i32 = arith.constant 0 : i32
    %c0_i32_0 = arith.constant 0 : i32
    return %arg0, %c0_i32 : i32, i32
  }
  func.func @transform_9(%arg0: i32) -> (i32, i32) {
    %c0_i32 = arith.constant 0 : i32
    %c0_i32_0 = arith.constant 0 : i32
    return %arg0, %c0_i32 : i32, i32
  }
  func.func @transform_10(%arg0: i32) -> (i32, i32) {
    %c0_i32 = arith.constant 0 : i32
    %c0_i32_0 = arith.constant 0 : i32
    return %arg0, %c0_i32 : i32, i32
  }
}

</mosaic_0001>

<sc_bundles>
// kernel: kernel.10.cloned.1.call-start
scs
__scs_entry_jumppad:
0x0: {  	(pc) =	sbr.rel $0x88, $3  }
0x1: {  	(tag) =	ssettag $0x0;
	lr =	simm.s32 $0x1  }
0x2: {  	[smem:$0x3F98] =	sst lr;
	_ =	strace $0xD0000000  }
0x3: {  	_ = 	snop  }
0x4: {  	_ = 	snop  }
0x5: {  	_ = 	snop  }
0x6: {  	_ = 	snop  }
0x7: {  	_ = 	snop  }
__scs_overlays_trampoline_lowered:
0x8: {  	[smem:$0x3FA7] =	sst s0  }
0x9: {  	[smem:$0x3FA8] =	sst s1  }
0xa: {  	[smem:$0x3FA9] =	sst s2  }
0xb: {  	[smem:$0x3FAA] =	sst s3  }
0xc: {  	[smem:$0x3FAB] =	sst s4  }
0xd: {  	[smem:$0x3FAC] =	sst s5  }
0xe: {  	[smem:$0x3FAD] =	sst s6  }
0xf: {  	[smem:$0x3FAE] =	sst s7  }
0x10: {  	[smem:$0x3FAF] =	sst s8  }
0x11: {  	[smem:$0x3FB0] =	sst s9;
	s0 =	simm.s32 @!p0 $0x0  }
0x12: {  	s1 =	sld [smem:$0x3F96];
	s0 =	simm.s32 @p0 $0x1  }
0x13: {  	[smem:$0x3FB1] =	sst s0;
	s0 =	simm.s32 @!p1 $0x0  }
0x14: {  	s2 =	sld [smem:$0x3F95];
	s0 =	simm.s32 @p1 $0x1  }
0x15: {  	[smem:$0x3FB2] =	sst s0;
	s0 =	simm.s32 @!p2 $0x0  }
0x16: {  	s3 =	sld [smem:$0x3FDB];
	s0 =	simm.s32 @p2 $0x1  }
0x17: {  	s4 =	simm.s32 $0x1BF5;
	[smem:$0x3FB4] =	sst s0  }
0x18: {  	s0 =	sld [smem:$0x3F97];
	_ =	swait.ge [sflag:s4], $0x0  }
0x19: {  	s7 =	sld [smem:$0x3F98]  }
0x1a: {  	s8 =	sadd.s32 $0xFFFFE003, lr  }
0x1b: {  	s9 =	sadd.s32 $0xFFFFFEF7, lr;
	s5 =	simm.s32 $0xFFFFFFFF;
	p2 =	slt.u32 s8, $0xFFFFF086  }
0x1c: {  	p1 =	slt.u32 s9, $0xF7A;
	s5 =	simm.s32 @!p2 $0x0  }
0x1d: {  	s5 =	simm.s32 @p1 $0x1;
	p0 =	seq.s32 s7, s2  }
0x1e: {  	s7 =	smul.u32 @!p0 $0xF7A, s2;
	p2 =	seq.s32 @!p0 s5, $0x0  }
0x1f: {  	s9 =	smul.u32 $0xF7A, s1;
	s8 =	simm.s32 @!p0 $0x1BF5;
	p2 =	por !p2, p0  }
0x20: {  	[sflag:s8] =	ssyncset.s32 @!p0 $0xFFFFF086;
	s6 =	sadd.s32 @!p0 s3, s7;
	s7 =	simm.s32 @!p0 $0x108  }
0x21: {  	s3 =	sadd.s32 s3, s9;
	s6 =	sadd.s32 @!p0 $0x88, s6;
	s7 =	simm.s32 @p2 $0x1082  }
0x22: {  	[simem:s7], [sflag:s8] =	dma.local @!p0 [hbm:s6], $0xF7A  }
0x23: {  	s9 =	sor.u32 $0xD0000000, s2;
	s6 =	simm.s32 $0x108;
	_ =	swait.ge @!p0 [sflag:s8], $0x0  }
0x24: {  	s3 =	sadd.s32 $0x88, s3;
	s6 =	simm.s32 @!p1 $0x1082;
	[sflag:s4] =	ssyncset.s32 $0xFFFFF086  }
0x25: {  	[simem:s6], [sflag:s4] =	dma.local [hbm:s3], $0xF7A  }
0x26: {  	[smem:$0x3F98] =	sst s1;
	(tag) =	ssettag s2;
	_ =	strace s9  }
0x27: {  	s1 =	sld [smem:$0x3FA8]  }
0x28: {  	s2 =	sld [smem:$0x3FA9]  }
0x29: {  	s4 =	sld [smem:$0x3FAB]  }
0x2a: {  	p0 =	seq.s32 s5, $0x0;
	s5 =	sld [smem:$0x3FAC]  }
0x2b: {  	s6 =	sld [smem:$0x3FAD]  }
0x2c: {  	s7 =	sld [smem:$0x3FAE]  }
0x2d: {  	s3 =	simm.s32 $0x108;
	s8 =	sld [smem:$0x3FAF]  }
0x2e: {  	s3 =	simm.s32 @!p0 $0x1082;
	s9 =	sld [smem:$0x3FB0]  }
0x2f: {  	lr =	sadd.s32 s0, s3;
	s0 =	sld [smem:$0x3FA7]  }
0x30: {  	s3 =	sld [smem:$0x3FAA]  }
0x31: {  	[smem:$0x3FB3] =	sst s10  }
0x32: {  	s10 =	sld [smem:$0x3FB1];
	_ =	sdelay $0x3  }
0x33: {  	p0 =	seq.s32 s10, $0x1;
	s10 =	sld [smem:$0x3FB3];
	_ =	sdelay $0x3  }
0x34: {  	[smem:$0x3FB3] =	sst s10  }
0x35: {  	s10 =	sld [smem:$0x3FB2];
	_ =	sdelay $0x3  }
0x36: {  	p1 =	seq.s32 s10, $0x1;
	s10 =	sld [smem:$0x3FB3];
	_ =	sdelay $0x3  }
0x37: {  	[smem:$0x3FB3] =	sst s10  }
0x38: {  	s10 =	sld [smem:$0x3FB4]  }
0x39: {  	_ = 	snop;
	(pc) =	sbr.ind lr, $3  }
0x3a: {  	_ = 	snop  }
0x3b: {  	_ = 	snop  }
0x3c: {  	p2 =	seq.s32 s10, $0x1;
	s10 =	sld [smem:$0x3FB3]  }
0x3d: {  	_ =	shalt  }
0x3e: {  	_ =	shalt  }
0x3f: {  	_ =	shalt  }
0x40: {  	_ =	shalt  }
0x41: {  	_ =	shalt  }
0x42: {  	_ =	shalt  }
0x43: {  	_ =	shalt  }
0x44: {  	_ =	shalt  }
0x45: {  	_ =	shalt  }
0x46: {  	_ =	shalt  }
0x47: {  	_ =	shalt  }
0x48: {  	_ =	shalt  }
0x49: {  	_ =	shalt  }
0x4a: {  	_ =	shalt  }
0x4b: {  	_ =	shalt  }
0x4c: {  	_ =	shalt  }
0x4d: {  	_ =	shalt  }
0x4e: {  	_ =	shalt  }
0x4f: {  	_ =	shalt  }
0x50: {  	_ =	shalt  }
0x51: {  	_ =	shalt  }
0x52: {  	_ =	shalt  }
0x53: {  	_ =	shalt  }
0x54: {  	_ =	shalt  }
0x55: {  	_ =	shalt  }
0x56: {  	_ =	shalt  }
0x57: {  	_ =	shalt  }
0x58: {  	_ =	shalt  }
0x59: {  	_ =	shalt  }
0x5a: {  	_ =	shalt  }
0x5b: {  	_ =	shalt  }
0x5c: {  	_ =	shalt  }
0x5d: {  	_ =	shalt  }
0x5e: {  	_ =	shalt  }
0x5f: {  	_ =	shalt  }
0x60: {  	_ =	shalt  }
0x61: {  	_ =	shalt  }
0x62: {  	_ =	shalt  }
0x63: {  	_ =	shalt  }
0x64: {  	_ =	shalt  }
0x65: {  	_ =	shalt  }
0x66: {  	_ =	shalt  }
0x67: {  	_ =	shalt  }
0x68: {  	_ =	shalt  }
0x69: {  	_ =	shalt  }
0x6a: {  	_ =	shalt  }
0x6b: {  	_ =	shalt  }
0x6c: {  	_ =	shalt  }
0x6d: {  	_ =	shalt  }
0x6e: {  	_ =	shalt  }
0x6f: {  	_ =	shalt  }
0x70: {  	_ =	shalt  }
0x71: {  	_ =	shalt  }
0x72: {  	_ =	shalt  }
0x73: {  	_ =	shalt  }
0x74: {  	_ =	shalt  }
0x75: {  	_ =	shalt  }
0x76: {  	_ =	shalt  }
0x77: {  	_ =	shalt  }
0x78: {  	_ =	shalt  }
0x79: {  	_ =	shalt  }
0x7a: {  	_ =	shalt  }
0x7b: {  	_ =	shalt  }
0x7c: {  	_ =	shalt  }
0x7d: {  	_ =	shalt  }
0x7e: {  	_ =	shalt  }
0x7f: {  	_ =	shalt  }
0x80: {  	_ =	shalt  }
0x81: {  	_ =	shalt  }
0x82: {  	_ =	shalt  }
0x83: {  	_ =	shalt  }
0x84: {  	_ =	shalt  }
0x85: {  	_ =	shalt  }
0x86: {  	_ =	shalt  }
0x87: {  	_ =	shalt  }
.Lfunc_end0:
.L_simem_size_0:
called_computation.1_lowered:
.L_overlay_start_0:
0x88: {  	s2 =	sld [smem:$0x3FD9]  }
0x89: {  	s3 =	sld [smem:$0x3FFE];
	_ =	sdelay $0x1  }
0x8a: {  	s1 =	srdreg.scid  }
0x8b: {  	s0 =	sand.u32 $0x1, s1  }
0x8c: {  	s14 =	sshll.u32 s0, $0xA;
	s2 =	sadd.s32 s3, s2  }
0x8d: {  	s2 =	sadd.s32 s2, s14  }
0x8e: {  	[smem:$0x3FBF] =	sst s2  }
0x8f: {  	_ = 	snop  }
0x90: {  	s2 =	sld [smem:$0x3FD0];
	_ =	sdelay $0x2  }
0x91: {  	s15 =	simm.s32 $0xB;
	s4 =	simm.s32 $0x10  }
0x92: {  	[smem:s4], [sflag:s15] =	dma.local [hbm:s2], $0x1  }
0x93: {  	_ =	swait.eq [sflag:s15], $0x1  }
0x94: {  	[sflag:s15] =	ssyncset.done $0x0  }
0x95: {  	[sflag:s15] =	ssyncadd.s32 $0xFFFFFFFF  }
0x96: {  	s16 =	sld [smem:$0x12];
	(tm) =	ssettm $0x1  }
0x97: {  	s17 =	sld [smem:$0x3FFB];
	_ =	sdelay $0x3  }
0x98: {  	_ =	strace s17  }
0x99: {  	s3 =	sld [smem:$0x3FFC];
	_ =	sdelay $0x3  }
0x9a: {  	_ =	strace s3  }
0x9b: {  	s3 =	sld [smem:$0x3FFD];
	_ =	sdelay $0x3  }
0x9c: {  	_ =	strace s3  }
0x9d: {  	_ =	strace $0x8FFFFFFF  }
0x9e: {  	s18 =	sld [smem:$0x3FDB];
	_ =	sdelay $0x1  }
0x9f: {  	s19 =	simm.s32 $_scs_section_size  }
0xa0: {  	s5 =	simm.s32 $_size__tile_overlayer_lowered;
	s6 =	simm.s32 $_tile_overlayer_lowered  }
0xa1: {  	s22 =	simm.s32 $0x1BFF;
	s21 =	sshll.u32 s6, $0x1;
	s3 =	sadd.s32 s19, s18  }
0xa2: {  	s7 =	simm.s32 $0x0;
	s20 =	sshll.u32 s5, $0x1;
	s5 =	sadd.s32 s21, s3  }
0xa3: {  	[timem:s7], [sflag:s22] =	dma.local [hbm:s5], s20  }
0xa4: {  	_ =	swait.ge [sflag:s22], s20  }
0xa5: {  	s4 =	ssub.s32 $0x0, s20;
	[sflag:s22] =	ssyncset.done $0x0  }
0xa6: {  	[sflag:s22] =	ssyncadd.s32 s4;
	_ =	sdelay $0x1  }
0xa7: {  	s23 =	simm.s32 $0x1B8B  }
0xa8: {  	_ =	swait.ge [sflag:s23], $0x1  }
0xa9: {  	[sflag:s23] =	ssyncset.done $0x0  }
0xaa: {  	s25 =	simm.s32 $0x1B8E;
	s24 =	sld [smem:$0x3FFE];
	[sflag:s23] =	ssyncadd.s32 $0xFFFFFFFF  }
0xab: {  	s26 =	simm.s32 $execute0_lowered;
	[smem:$0x3FD2] =	sst s25  }
0xac: {  	s5 =	sshll.u32 s26, $0x1;
	_ =	strace $0x80000046;
	[dreg:$0x1] =	wrdreg $0xFFFFFFFF  }
0xad: {  	s28 =	simm.s32 $_size_execute0_lowered;
	s3 =	sadd.s32 s3, s5;
	[dreg:$0x0] =	wrdreg $0x0  }
0xae: {  	s5 =	sshll.u32 s28, $0x1;
	[dreg:$0x2] =	wrdreg s3  }
0xaf: {  	[dreg:$0x3] =	wrdreg s5  }
0xb0: {  	[dreg:$0x4] =	wrdreg $0xC0  }
0xb1: {  	_ =	task [dreg:s7], $0x5FFFF  }
0xb2: {  	[dreg:$0x1] =	wrdreg $0xFFFFFFFF  }
0xb3: {  	[dreg:$0x0] =	wrdreg $0x60  }
0xb4: {  	[dreg:$0x2] =	wrdreg s24  }
0xb5: {  	[dreg:$0x3] =	wrdreg s16  }
0xb6: {  	[dreg:$0x4] =	wrdreg $0xA  }
0xb7: {  	_ =	task.clear_ibuf [dreg:s7], $0x5FFFF;
	_ =	strace $0x90000046  }
0xb8: {  	s29 =	simm.s32 $0xA;
	_ =	strace $0x8000004F  }
0xb9: {  	_ =	swait.ge [sflag:s29], $0x1  }
0xba: {  	[sflag:s29] =	ssyncadd.s32 $0xFFFFFFFF  }
0xbb: {  	_ =	strace $0x9000004F  }
0xbc: {  	_ =	sfence  }
0xbd: {  	s30 =	sld [smem:$0x0];
	_ =	sdelay $0x2  }
0xbe: {  	s31 =	sshll.u32 s1, $0xD;
	s1 =	sshrl.u32 s1, $0x2  }
0xbf: {  	s3 =	sand.u32 $0x4000, s31;
	s1 =	sadd.s32 s1, s30  }
0xc0: {  	s0 =	sor.u32 s3, s0;
	s1 =	sshll.u32 s1, $0x11  }
0xc1: {  	s0 =	sor.u32 s1, s0  }
0xc2: {  	s0 =	sadd.s32 $0x8F2B, s0  }
0xc3: {  	[sflag:s0] =	ssyncadd.remote.s32 $0x1  }
0xc4: {  	_ =	sfence.sel $0xFFFF  }
0xc5: {  	[dreg:$0x0] =	wrdreg $0xFFFFFFFF;
	(pc) =	sbr.abs _section_cstart, $3  }
0xc6: {  	[dreg:$0x1] =	wrdreg $0xFFFFFFFF  }
0xc7: {  	_ =	task.clear_ibuf [dreg:s7], $0x2FFFF;
	_ =	strace $0x9FFFFFFF  }
0xc8: {  	(tm) =	ssettm $0x7FFFFFFF  }
0xc9: {  	_ =	shalt  }
tec
execute0_lowered:
.L_overlay_start_1:
0x0: {  	(tag) =	ssettag $0x1  }
0x1: {  	s4 =	rddreg [dreg:$0x0]  }
0x2: {  	s1 =	rddreg [dreg:$0x1]  }
0x3: {  	s0 =	rddreg [dreg:$0x2];
	s2 =	simm.s32 $0x0  }
0x4: {  	s3 =	srdreg.scid;
	s31 =	simm.s32 $0x80;
	s9 =	simm.s32 $0x3  }
0x5: {  	s10 =	simm.s32 $0x0;
	[smem:$0x7FF] =	sst s2;
	s5 =	sand.u32 $0x1, s3  }
0x6: {  	s6 =	sadd.s32 $0x2200, s4;
	s3 =	stileid.u32;
	s4 =	sadd.s32 $0x29400, s4  }
0x7: {  	_ =	strace $0x80000047;
	s7 =	sshll.u32 s5, $0x4;
	s5 =	ssub.s32 $0x2, s5  }
0x8: {  	[dreg:$0x3] =	wrdreg s6;
	s29 =	sor.u32 s3, s7;
	s30 =	sshrl.u32 s5, $0x1  }
0x9: {  	[dreg:$0x5] =	wrdreg s4;
	s8 =	smul.u32 $0x190, s29;
	s7 =	ssub.s32 s5, s30  }
0xa: {  	[dreg:$0x4] =	wrdreg s31;
	s4 =	smul.u32 $0x19, s29;
	s6 =	smax.u32 s7, $0x1  }
0xb: {  	s7 =	simm.s32 $0x1;
	s5 =	sadd.s32 s1, s8;
	s8 =	simm.s32 $0x5  }
.LBB2_1:
0xc: {  	_ =	strace $0x80000048;
	s11 =	simm.s32 $0x1;
	p0 =	por $0x0, $0x0  }
0xd: {  	[tilespmem:s2], [sflag:$0x1] =	stream.linear.gather [hbm4b:s5+s2], $0x80, $0x200038;
	[tilespmem:$0x8100] =	vst v63  }
0xe: {  	s11 =	simm.s32 @p0 $0x0  }
0xf: {  	p4 =	por $0x1, $0x1;
	s20 =	sand.u32 $0x1, s2;
	p1 =	sne.s32 s11, $0x0  }
0x10: {  	p2 =	por $0x1, $0x1;
	s18 =	simm.s32 $0x17;
	p0 =	por !p4, !p1  }
0x11: {  	s16 =	simm.s32 $0x0;
	p5 =	por $0x0, $0x0;
	p0 =	por !p0, !p0  }
0x12: {  	s23 =	sadd.s32 $0x0, s4;
	s30 =	sadd.s32 $0x1, s20;
	s12 =	sadd.s32 @p0 s4, s11  }
0x13: {  	_ =	strace $0x90000048;
	s13 =	sand.u32 @p0 $0x1, s7;
	s12 =	sshll.u32 @p0 s12, $0x4  }
0x14: {  	_ =	strace @p0 $0x80000049;
	s15 =	simm.s32 @p0 $0x0;
	s12 =	sand.u32 @p0 $0x1FFFFFF0, s12  }
0x15: {  	s14 =	sshll.u32 @p0 s13, $0x7;
	s13 =	sadd.s32 @p0 $0x1, s13;
	s12 =	sadd.s32 @p0 s1, s12  }
0x16: {  	[tilespmem:s14], [sflag:s13] =	stream.linear.gather @p0 [hbm4b:s12+s15], $0x80, $0x200038;
	[tilespmem:$0x8100] =	vst v63  }
0x17: {  	p3 =	por p2, p2;
	s21 =	sshll.u32 s20, $0xE;
	_ =	strace @p0 $0x90000049  }
0x18: {  	s16 =	sand.u32 $0x80, s16;
	p2 =	por p5, p5;
	_ =	strace $0x8000004A  }
0x19: {  	s17 =	sadd.s32 $0x1, s11;
	s22 =	sor.u32 $0x100, s21;
	_ =	swait.ge [sflag:s30], $0x80  }
0x1a: {  	s21 =	simm.s32 $0x1;
	p6 =	por p1, p1;
	[sflag:s30] =	ssyncset.done $0x0  }
0x1b: {  	p1 =	por p3, p3;
	p4 =	por $0x1, $0x1;
	[sflag:s30] =	ssyncadd.s32 $0xFFFFFF80  }
0x1c: {  	s12 =	simm.s32 $0x18;
	s15 =	sand.u32 @!p3 $0x1, s2;
	_ =	strace $0x9000004A  }
0x1d: {  	s13 =	simm.s32 $0x1;
	p3 =	seq.s32 s17, $0x19;
	_ =	strace $0x8000004B  }
0x1e: {  	s13 =	simm.s32 @!p0 $0x0;
	s17 =	simm.s32 @p3 $0x0;
	s19 =	rddreg [dreg:$0x4]  }
0x1f: {  	p0 =	por $0x0, $0x0;
	s14 =	sadd.s32 $0x1, s13;
	s31 =	rddreg [dreg:$0x3]  }
0x20: {  	[tilespmem:s22], [sflag:$0x5] =	stream.indirect.gather [hbm4b:s31+s19], $0x80, s16, s19, $0x2000b8;
	[tilespmem:$0x8100] =	vst v63  }
0x21: {  	p3 =	sne.s32 s11, s17;
	s21 =	simm.s32 @!p0 $0x0;
	_ =	swait.ge [sflag:s8], $0x4000  }
0x22: {  	p5 =	por !p4, !p3;
	p4 =	por $0x0, $0x0;
	[sflag:s8] =	ssyncset.done $0x0  }
0x23: {  	s13 =	simm.s32 $0x0;
	p6 =	por p4, p6;
	[sflag:s8] =	ssyncadd.s32 $0xFFFFC000  }
0x24: {  	s16 =	simm.s32 $0x0;
	s19 =	simm.s32 $0x0;
	_ =	strace $0x9000004B  }
.LBB2_2:
0x25: {  	_ =	strace @p6 $0x8000004C;
	s13 =	sadd.s32 s21, s13;
	s21 =	smov.u32 s12  }
0x26: {  	s12 =	smov.u32 s18;
	s18 =	sadd.s32 $0xFFFFFFFF, s18;
	p0 =	por p3, p3  }
0x27: {  	s28 =	sshll.u32 @p6 s23, $0xB;
	s20 =	sadd.s32 @p6 $0x3, s20;
	s24 =	simm.s32 @!p0 $0x0  }
0x28: {  	s25 =	rddreg [dreg:$0x5];
	s28 =	sand.u32 @p6 $0x1FFFF800, s28;
	s24 =	simm.s32 @p0 $0x1  }
0x29: {  	s25 =	sadd.s32 @p6 s25, s28;
	s28 =	simm.s32 @p6 $0x0;
	p0 =	sne.s32 s18, $0x0  }
0x2a: {  	[hbm4b:s25+s28] =	stream.linear.scatter @p6 [tilespmem:s22], [sflag:s20], $0x4000, $0x200038;
	[tilespmem:$0x8100] =	vst v63  }
0x2b: {  	s20 =	sadd.s32 @!p1 $0x3, s15;
	s15 =	simm.s32 @!p0 $0x0  }
0x2c: {  	s26 =	simm.s32 $0x1;
	[smem:$0x7FC] =	sst s24;
	s15 =	simm.s32 @p0 $0x1  }
0x2d: {  	s26 =	simm.s32 @!p6 $0x0;
	_ =	strace @p6 $0x9000004C;
	[smem:$0x7FD] =	sst s15  }
0x2e: {  	p5 =	por !p5, !p5;
	s19 =	sadd.s32 s26, s19;
	_ =	strace @!p1 $0x8000004D  }
0x2f: {  	s24 =	sand.u32 @!p2 $0x1, s13;
	s22 =	sand.u32 @p5 $0x1, s14;
	_ =	swait.ge @!p1 [sflag:s20], $0x4000  }
0x30: {  	s15 =	smov.u32 s24;
	s24 =	sadd.s32 @p5 s4, s17;
	[sflag:s20] =	ssyncset.done @!p1 $0x0  }
0x31: {  	s25 =	sshll.u32 @p5 s22, $0x7;
	s24 =	sshll.u32 @p5 s24, $0x4;
	[sflag:s20] =	ssyncadd.s32 @!p1 $0xFFFFC000  }
0x32: {  	s20 =	sadd.s32 @p5 $0x1, s22;
	s22 =	sand.u32 @p5 $0x1FFFFFF0, s24;
	_ =	strace @!p1 $0x9000004D  }
0x33: {  	s24 =	simm.s32 @p5 $0x0;
	s22 =	sadd.s32 @p5 s1, s22;
	_ =	strace @p5 $0x80000049  }
0x34: {  	[tilespmem:s25], [sflag:s20] =	stream.linear.gather @p5 [hbm4b:s22+s24], $0x80, $0x200038;
	[tilespmem:$0x8100] =	vst v63  }
0x35: {  	s16 =	sadd.s32 s26, s16;
	s26 =	sand.u32 $0x1, s19;
	_ =	strace @p5 $0x90000049  }
0x36: {  	s24 =	sadd.s32 $0x1, s26;
	_ =	strace $0x8000004A  }
0x37: {  	_ =	swait.ge [sflag:s24], $0x80  }
0x38: {  	[sflag:s24] =	ssyncset.done $0x0  }
0x39: {  	s20 =	simm.s32 $0x1;
	[sflag:s24] =	ssyncadd.s32 $0xFFFFFF80  }
0x3a: {  	s20 =	simm.s32 @!p5 $0x0;
	_ =	strace $0x9000004A  }
0x3b: {  	s14 =	sadd.s32 s20, s14;
	s20 =	sand.u32 $0x1, s16;
	_ =	strace $0x8000004B  }
0x3c: {  	s29 =	sshll.u32 s19, $0x7;
	s25 =	sshll.u32 s20, $0xE;
	s26 =	rddreg [dreg:$0x4]  }
0x3d: {  	s29 =	sand.u32 $0x80, s29;
	s22 =	sor.u32 $0x100, s25;
	s30 =	rddreg [dreg:$0x3]  }
0x3e: {  	[tilespmem:s22], [sflag:$0x5] =	stream.indirect.gather [hbm4b:s30+s26], $0x80, s29, s26, $0x2000b8;
	[tilespmem:$0x8100] =	vst v63  }
0x3f: {  	_ =	swait.ge [sflag:s8], $0x4000  }
0x40: {  	s31 =	sadd.s32 $0x1, s17;
	[sflag:s8] =	ssyncset.done $0x0  }
0x41: {  	s23 =	sadd.s32 s4, s11;
	s11 =	smov.u32 s17;
	[sflag:s8] =	ssyncadd.s32 $0xFFFFC000  }
0x42: {  	p3 =	seq.s32 s31, $0x19;
	s17 =	smov.u32 s31;
	_ =	strace $0x9000004B  }
0x43: {  	s17 =	simm.s32 @p3 $0x0;
	s31 =	sld [smem:$0x7FD]  }
0x44: {  	p6 =	sne.s32 s12, $0x1;
	p0 =	sne.s32 s21, $0x19;
	p3 =	sne.s32 s11, s17  }
0x45: {  	p5 =	por !p6, !p3;
	p6 =	seq.s32 s21, $0x1;
	s21 =	simm.s32 $0x1  }
0x46: {  	s21 =	simm.s32 @!p0 $0x0;
	p0 =	seq.s32 s31, $0x1  }
.Ltmp0:
0x47: {  	s30 =	sld [smem:$0x7FC];
	(pc) =	sbr.rel @p0 .LBB2_2-.Ltmp0, $4  }
0x48: {  	_ = 	snop  }
0x49: {  	p4 =	seq.s32 s12, $0x19  }
0x4a: {  	p1 =	por p2, p2;
	p2 =	por p4, p4;
	p4 =	seq.s32 s30, $0x1  }
0x4b: {  	p6 =	por p6, p4  }
0x4c: {  	_ =	strace @p6 $0x8000004C;
	s23 =	sshll.u32 @p6 s23, $0xB  }
0x4d: {  	s18 =	rddreg [dreg:$0x5];
	s23 =	sand.u32 @p6 $0x1FFFF800, s23  }
0x4e: {  	s20 =	sadd.s32 @p6 $0x3, s20;
	s18 =	sadd.s32 @p6 s18, s23;
	s23 =	simm.s32 @p6 $0x0  }
0x4f: {  	[hbm4b:s18+s23] =	stream.linear.scatter @p6 [tilespmem:s22], [sflag:s20], $0x4000, $0x200038;
	[tilespmem:$0x8100] =	vst v63  }
0x50: {  	p0 =	por !p5, !p5;
	_ =	strace @p6 $0x9000004C  }
0x51: {  	s15 =	sadd.s32 @!p1 $0x3, s15;
	s17 =	sadd.s32 @p0 s4, s17;
	_ =	strace @!p1 $0x8000004D  }
0x52: {  	s14 =	sand.u32 @p0 $0x1, s14;
	s17 =	sshll.u32 @p0 s17, $0x4;
	_ =	swait.ge @!p1 [sflag:s15], $0x4000  }
0x53: {  	s18 =	simm.s32 $0x1;
	s20 =	sshll.u32 @p0 s14, $0x7;
	[sflag:s15] =	ssyncset.done @!p1 $0x0  }
0x54: {  	s14 =	sadd.s32 @p0 $0x1, s14;
	s18 =	simm.s32 @!p6 $0x0;
	[sflag:s15] =	ssyncadd.s32 @!p1 $0xFFFFC000  }
0x55: {  	s19 =	sadd.s32 s18, s19;
	s15 =	sand.u32 @p0 $0x1FFFFFF0, s17;
	_ =	strace @!p1 $0x9000004D  }
0x56: {  	s17 =	simm.s32 @p0 $0x0;
	s15 =	sadd.s32 @p0 s1, s15;
	_ =	strace @p0 $0x80000049  }
0x57: {  	[tilespmem:s20], [sflag:s14] =	stream.linear.gather @p0 [hbm4b:s15+s17], $0x80, $0x200038;
	[tilespmem:$0x8100] =	vst v63  }
0x58: {  	s25 =	sand.u32 $0x1, s19;
	_ =	strace @p0 $0x90000049  }
0x59: {  	s14 =	sadd.s32 $0x1, s25;
	_ =	strace $0x8000004A  }
0x5a: {  	_ =	swait.ge [sflag:s14], $0x80  }
0x5b: {  	[sflag:s14] =	ssyncset.done $0x0  }
0x5c: {  	[sflag:s14] =	ssyncadd.s32 $0xFFFFFF80  }
0x5d: {  	s26 =	sadd.s32 s18, s16;
	_ =	strace $0x9000004A  }
0x5e: {  	s14 =	sand.u32 $0x1, s26;
	_ =	strace $0x8000004B  }
0x5f: {  	s30 =	sshll.u32 s19, $0x7;
	s31 =	sshll.u32 s14, $0xE;
	s28 =	rddreg [dreg:$0x4]  }
0x60: {  	s17 =	sand.u32 $0x80, s30;
	s18 =	sor.u32 $0x100, s31;
	s29 =	rddreg [dreg:$0x3]  }
0x61: {  	[tilespmem:s18], [sflag:$0x5] =	stream.indirect.gather [hbm4b:s29+s28], $0x80, s17, s28, $0x2000b8;
	[tilespmem:$0x8100] =	vst v63  }
0x62: {  	_ =	swait.ge [sflag:s8], $0x4000  }
0x63: {  	[sflag:s8] =	ssyncset.done $0x0  }
0x64: {  	p5 =	por p3, p3;
	p6 =	seq.s32 s12, $0x1;
	[sflag:s8] =	ssyncadd.s32 $0xFFFFC000  }
0x65: {  	s11 =	sadd.s32 s4, s11;
	p0 =	por p6, p5;
	_ =	strace $0x9000004B  }
0x66: {  	s11 =	sshll.u32 @p0 s11, $0xB;
	_ =	strace @p0 $0x8000004C  }
0x67: {  	s13 =	sadd.s32 s21, s13;
	s11 =	sand.u32 @p0 $0x1FFFF800, s11;
	s12 =	rddreg [dreg:$0x5]  }
0x68: {  	s14 =	sadd.s32 @p0 $0x3, s14;
	s11 =	sadd.s32 @p0 s12, s11;
	s12 =	simm.s32 @p0 $0x0  }
0x69: {  	[hbm4b:s11+s12] =	stream.linear.scatter @p0 [tilespmem:s18], [sflag:s14], $0x4000, $0x200038;
	[tilespmem:$0x8100] =	vst v63  }
0x6a: {  	p1 =	por p2, p2;
	s11 =	sand.u32 @!p2 $0x1, s13;
	_ =	strace @p0 $0x9000004C  }
0x6b: {  	s11 =	sadd.s32 @!p1 $0x3, s11;
	_ =	strace @!p1 $0x8000004D  }
0x6c: {  	_ =	swait.ge @!p1 [sflag:s11], $0x4000  }
0x6d: {  	[sflag:s11] =	ssyncset.done @!p1 $0x0  }
0x6e: {  	s10 =	sadd.s32 $0x1, s10;
	[sflag:s11] =	ssyncadd.s32 @!p1 $0xFFFFC000  }
0x6f: {  	p0 =	sne.s32 s10, s6;
	_ =	strace @!p1 $0x9000004D  }
.Ltmp1:
0x70: {  	_ =	strace $0x8000004E;
	(pc) =	sbr.rel @p0 .LBB2_1-.Ltmp1, $4  }
0x71: {  	_ =	swait.ge [sflag:s9], $0x4000  }
0x72: {  	[sflag:s9] =	ssyncset.done $0x0  }
0x73: {  	[sflag:s9] =	ssyncadd.s32 $0xFFFFC000  }
0x74: {  	_ =	strace $0x9000004E  }
0x75: {  	_ =	sfence.sel $0x180000  }
0x76: {  	[bflag:$0x0] =	sbarrier.arrive $0xFFFF  }
0x77: {  	p0 =	sne.s32 s3, $0x0;
	_ =	strace $0x90000047  }
0x78: {  	s0 =	sadd.s32 @!p0 $0x100000, s0;
	[bflag:$0x2] =	sbarrier.arrive $0xFFFF  }
0x79: {  	[sflag:s0] =	ssyncadd.tile.s32 @!p0 $0x1;
	_ =	shalt  }
.Lfunc_end2:
_tile_overlayer_lowered:
.L_overlay_start_2:
0x7a: {  	(tag) =	ssettag $0x2  }
0x7b: {  	s0 =	rddreg [dreg:$0x0];
	s2 =	stileid.u32  }
0x7c: {  	s1 =	rddreg [dreg:$0x1];
	p0 =	sne.s32 s2, $0x0  }
0x7d: {  	s3 =	rddreg [dreg:$0x2];
	[bflag:$0x3] =	sbarrier.arrive $0xFFFF;
	s2 =	simm.s32 @!p0 $0x1C01  }
0x7e: {  	[timem:s3], [sflag:s2] =	dma.local @!p0 [hbm:s0], s1  }
0x7f: {  	s0 =	simm.s32 @!p0 $0x1  }
0x80: {  	_ =	swait.ge @!p0 [sflag:s0], s1  }
0x81: {  	s1 =	ssub.s32 @!p0 $0x0, s1;
	[sflag:s0] =	ssyncset.done @!p0 $0x0  }
0x82: {  	[sflag:s0] =	ssyncadd.s32 @!p0 s1  }
0x83: {  	[bflag:$0x3] =	sbarrier.arrive $0xFFFF  }
0x84: {  	_ =	shalt  }

// kernel: kernel.7.cloned.1.call-start
scs
__scs_entry_jumppad:
0x0: {  	(pc) =	sbr.rel $0x88, $3  }
0x1: {  	(tag) =	ssettag $0x0;
	lr =	simm.s32 $0x1  }
0x2: {  	[smem:$0x3F98] =	sst lr;
	_ =	strace $0xD0000000  }
0x3: {  	_ = 	snop  }
0x4: {  	_ = 	snop  }
0x5: {  	_ = 	snop  }
0x6: {  	_ = 	snop  }
0x7: {  	_ = 	snop  }
__scs_overlays_trampoline_lowered:
0x8: {  	[smem:$0x3FA7] =	sst s0  }
0x9: {  	[smem:$0x3FA8] =	sst s1  }
0xa: {  	[smem:$0x3FA9] =	sst s2  }
0xb: {  	[smem:$0x3FAA] =	sst s3  }
0xc: {  	[smem:$0x3FAB] =	sst s4  }
0xd: {  	[smem:$0x3FAC] =	sst s5  }
0xe: {  	[smem:$0x3FAD] =	sst s6  }
0xf: {  	[smem:$0x3FAE] =	sst s7  }
0x10: {  	[smem:$0x3FAF] =	sst s8  }
0x11: {  	[smem:$0x3FB0] =	sst s9;
	s0 =	simm.s32 @!p0 $0x0  }
0x12: {  	s1 =	sld [smem:$0x3F96];
	s0 =	simm.s32 @p0 $0x1  }
0x13: {  	[smem:$0x3FB1] =	sst s0;
	s0 =	simm.s32 @!p1 $0x0  }
0x14: {  	s2 =	sld [smem:$0x3F95];
	s0 =	simm.s32 @p1 $0x1  }
0x15: {  	[smem:$0x3FB2] =	sst s0;
	s0 =	simm.s32 @!p2 $0x0  }
0x16: {  	s3 =	sld [smem:$0x3FDB];
	s0 =	simm.s32 @p2 $0x1  }
0x17: {  	s4 =	simm.s32 $0x1BF5;
	[smem:$0x3FB4] =	sst s0  }
0x18: {  	s0 =	sld [smem:$0x3F97];
	_ =	swait.ge [sflag:s4], $0x0  }
0x19: {  	s7 =	sld [smem:$0x3F98]  }
0x1a: {  	s8 =	sadd.s32 $0xFFFFE003, lr  }
0x1b: {  	s9 =	sadd.s32 $0xFFFFFEF7, lr;
	s5 =	simm.s32 $0xFFFFFFFF;
	p2 =	slt.u32 s8, $0xFFFFF086  }
0x1c: {  	p1 =	slt.u32 s9, $0xF7A;
	s5 =	simm.s32 @!p2 $0x0  }
0x1d: {  	s5 =	simm.s32 @p1 $0x1;
	p0 =	seq.s32 s7, s2  }
0x1e: {  	s7 =	smul.u32 @!p0 $0xF7A, s2;
	p2 =	seq.s32 @!p0 s5, $0x0  }
0x1f: {  	s9 =	smul.u32 $0xF7A, s1;
	s8 =	simm.s32 @!p0 $0x1BF5;
	p2 =	por !p2, p0  }
0x20: {  	[sflag:s8] =	ssyncset.s32 @!p0 $0xFFFFF086;
	s6 =	sadd.s32 @!p0 s3, s7;
	s7 =	simm.s32 @!p0 $0x108  }
0x21: {  	s3 =	sadd.s32 s3, s9;
	s6 =	sadd.s32 @!p0 $0x88, s6;
	s7 =	simm.s32 @p2 $0x1082  }
0x22: {  	[simem:s7], [sflag:s8] =	dma.local @!p0 [hbm:s6], $0xF7A  }
0x23: {  	s9 =	sor.u32 $0xD0000000, s2;
	s6 =	simm.s32 $0x108;
	_ =	swait.ge @!p0 [sflag:s8], $0x0  }
0x24: {  	s3 =	sadd.s32 $0x88, s3;
	s6 =	simm.s32 @!p1 $0x1082;
	[sflag:s4] =	ssyncset.s32 $0xFFFFF086  }
0x25: {  	[simem:s6], [sflag:s4] =	dma.local [hbm:s3], $0xF7A  }
0x26: {  	[smem:$0x3F98] =	sst s1;
	(tag) =	ssettag s2;
	_ =	strace s9  }
0x27: {  	s1 =	sld [smem:$0x3FA8]  }
0x28: {  	s2 =	sld [smem:$0x3FA9]  }
0x29: {  	s4 =	sld [smem:$0x3FAB]  }
0x2a: {  	p0 =	seq.s32 s5, $0x0;
	s5 =	sld [smem:$0x3FAC]  }
0x2b: {  	s6 =	sld [smem:$0x3FAD]  }
0x2c: {  	s7 =	sld [smem:$0x3FAE]  }
0x2d: {  	s3 =	simm.s32 $0x108;
	s8 =	sld [smem:$0x3FAF]  }
0x2e: {  	s3 =	simm.s32 @!p0 $0x1082;
	s9 =	sld [smem:$0x3FB0]  }
0x2f: {  	lr =	sadd.s32 s0, s3;
	s0 =	sld [smem:$0x3FA7]  }
0x30: {  	s3 =	sld [smem:$0x3FAA]  }
0x31: {  	[smem:$0x3FB3] =	sst s10  }
0x32: {  	s10 =	sld [smem:$0x3FB1];
	_ =	sdelay $0x3  }
0x33: {  	p0 =	seq.s32 s10, $0x1;
	s10 =	sld [smem:$0x3FB3];
	_ =	sdelay $0x3  }
0x34: {  	[smem:$0x3FB3] =	sst s10  }
0x35: {  	s10 =	sld [smem:$0x3FB2];
	_ =	sdelay $0x3  }
0x36: {  	p1 =	seq.s32 s10, $0x1;
	s10 =	sld [smem:$0x3FB3];
	_ =	sdelay $0x3  }
0x37: {  	[smem:$0x3FB3] =	sst s10  }
0x38: {  	s10 =	sld [smem:$0x3FB4]  }
0x39: {  	_ = 	snop;
	(pc) =	sbr.ind lr, $3  }
0x3a: {  	_ = 	snop  }
0x3b: {  	_ = 	snop  }
0x3c: {  	p2 =	seq.s32 s10, $0x1;
	s10 =	sld [smem:$0x3FB3]  }
0x3d: {  	_ =	shalt  }
0x3e: {  	_ =	shalt  }
0x3f: {  	_ =	shalt  }
0x40: {  	_ =	shalt  }
0x41: {  	_ =	shalt  }
0x42: {  	_ =	shalt  }
0x43: {  	_ =	shalt  }
0x44: {  	_ =	shalt  }
0x45: {  	_ =	shalt  }
0x46: {  	_ =	shalt  }
0x47: {  	_ =	shalt  }
0x48: {  	_ =	shalt  }
0x49: {  	_ =	shalt  }
0x4a: {  	_ =	shalt  }
0x4b: {  	_ =	shalt  }
0x4c: {  	_ =	shalt  }
0x4d: {  	_ =	shalt  }
0x4e: {  	_ =	shalt  }
0x4f: {  	_ =	shalt  }
0x50: {  	_ =	shalt  }
0x51: {  	_ =	shalt  }
0x52: {  	_ =	shalt  }
0x53: {  	_ =	shalt  }
0x54: {  	_ =	shalt  }
0x55: {  	_ =	shalt  }
0x56: {  	_ =	shalt  }
0x57: {  	_ =	shalt  }
0x58: {  	_ =	shalt  }
0x59: {  	_ =	shalt  }
0x5a: {  	_ =	shalt  }
0x5b: {  	_ =	shalt  }
0x5c: {  	_ =	shalt  }
0x5d: {  	_ =	shalt  }
0x5e: {  	_ =	shalt  }
0x5f: {  	_ =	shalt  }
0x60: {  	_ =	shalt  }
0x61: {  	_ =	shalt  }
0x62: {  	_ =	shalt  }
0x63: {  	_ =	shalt  }
0x64: {  	_ =	shalt  }
0x65: {  	_ =	shalt  }
0x66: {  	_ =	shalt  }
0x67: {  	_ =	shalt  }
0x68: {  	_ =	shalt  }
0x69: {  	_ =	shalt  }
0x6a: {  	_ =	shalt  }
0x6b: {  	_ =	shalt  }
0x6c: {  	_ =	shalt  }
0x6d: {  	_ =	shalt  }
0x6e: {  	_ =	shalt  }
0x6f: {  	_ =	shalt  }
0x70: {  	_ =	shalt  }
0x71: {  	_ =	shalt  }
0x72: {  	_ =	shalt  }
0x73: {  	_ =	shalt  }
0x74: {  	_ =	shalt  }
0x75: {  	_ =	shalt  }
0x76: {  	_ =	shalt  }
0x77: {  	_ =	shalt  }
0x78: {  	_ =	shalt  }
0x79: {  	_ =	shalt  }
0x7a: {  	_ =	shalt  }
0x7b: {  	_ =	shalt  }
0x7c: {  	_ =	shalt  }
0x7d: {  	_ =	shalt  }
0x7e: {  	_ =	shalt  }
0x7f: {  	_ =	shalt  }
0x80: {  	_ =	shalt  }
0x81: {  	_ =	shalt  }
0x82: {  	_ =	shalt  }
0x83: {  	_ =	shalt  }
0x84: {  	_ =	shalt  }
0x85: {  	_ =	shalt  }
0x86: {  	_ =	shalt  }
0x87: {  	_ =	shalt  }
.Lfunc_end0:
.L_simem_size_0:
called_computation_lowered:
.L_overlay_start_0:
0x88: {  	s2 =	sld [smem:$0x3FD9]  }
0x89: {  	s3 =	sld [smem:$0x3FFE];
	_ =	sdelay $0x1  }
0x8a: {  	s1 =	srdreg.scid  }
0x8b: {  	s0 =	sand.u32 $0x1, s1  }
0x8c: {  	s15 =	sshll.u32 s0, $0xA;
	s2 =	sadd.s32 s3, s2  }
0x8d: {  	s2 =	sadd.s32 s2, s15  }
0x8e: {  	[smem:$0x3FBF] =	sst s2  }
0x8f: {  	_ = 	snop  }
0x90: {  	s2 =	sld [smem:$0x3FD0];
	_ =	sdelay $0x2  }
0x91: {  	s4 =	simm.s32 $0xB;
	s16 =	simm.s32 $0x10  }
0x92: {  	[smem:s16], [sflag:s4] =	dma.local [hbm:s2], $0x1  }
0x93: {  	_ =	swait.eq [sflag:s4], $0x1  }
0x94: {  	[sflag:s4] =	ssyncset.done $0x0  }
0x95: {  	s17 =	sld [smem:$0x11];
	[sflag:s4] =	ssyncadd.s32 $0xFFFFFFFF  }
0x96: {  	s18 =	sld [smem:$0x12];
	(tm) =	ssettm $0x1  }
0x97: {  	s19 =	sld [smem:$0x3FFB];
	_ =	sdelay $0x3  }
0x98: {  	_ =	strace s19  }
0x99: {  	s2 =	sld [smem:$0x3FFC];
	_ =	sdelay $0x3  }
0x9a: {  	_ =	strace s2  }
0x9b: {  	s2 =	sld [smem:$0x3FFD];
	_ =	sdelay $0x3  }
0x9c: {  	_ =	strace s2  }
0x9d: {  	_ =	strace $0x8FFFFFFF  }
0x9e: {  	s20 =	sld [smem:$0x3FDB];
	_ =	sdelay $0x1  }
0x9f: {  	s5 =	simm.s32 $_scs_section_size  }
0xa0: {  	s6 =	simm.s32 $_size__tile_overlayer_lowered;
	s7 =	simm.s32 $_tile_overlayer_lowered  }
0xa1: {  	s8 =	simm.s32 $0x1BFF;
	s21 =	sshll.u32 s7, $0x1;
	s5 =	sadd.s32 s5, s20  }
0xa2: {  	s22 =	simm.s32 $0x0;
	s6 =	sshll.u32 s6, $0x1;
	s7 =	sadd.s32 s21, s5  }
0xa3: {  	[timem:s22], [sflag:s8] =	dma.local [hbm:s7], s6  }
0xa4: {  	_ =	swait.ge [sflag:s8], s6  }
0xa5: {  	s6 =	ssub.s32 $0x0, s6;
	[sflag:s8] =	ssyncset.done $0x0  }
0xa6: {  	[sflag:s8] =	ssyncadd.s32 s6;
	_ =	sdelay $0x1  }
0xa7: {  	s23 =	simm.s32 $0x1B8B  }
0xa8: {  	_ =	swait.ge [sflag:s23], $0x1  }
0xa9: {  	[sflag:s23] =	ssyncset.done $0x0  }
0xaa: {  	[sflag:s23] =	ssyncadd.s32 $0xFFFFFFFF  }
0xab: {  	s6 =	sld [smem:$0x0]  }
0xac: {  	s7 =	sand.u32 $0xFFFFFFFE, s1  }
0xad: {  	p0 =	sne.s32 s1, s7  }
0xae: {  	s7 =	sshll.u32 @p0 s7, $0xE  }
0xaf: {  	s7 =	sadd.s32 @p0 $0x11B8D, s7;
	s8 =	sshll.u32 @p0 s6, $0x11  }
0xb0: {  	s7 =	sor.u32 @p0 s8, s7  }
0xb1: {  	[sflag:s7] =	ssyncadd.remote.s32 @p0 $0x1;
	_ =	sdelay $0x1  }
0xb2: {  	s7 =	simm.s32 @p0 $0x1B8D  }
0xb3: {  	_ =	swait.eq @p0 [sflag:s7], $0x1  }
0xb4: {  	[sflag:s7] =	ssyncadd.s32 @p0 $0xFFFFFFFF  }
0xb5: {  	s8 =	sshll.u32 @!p0 s1, $0xE  }
0xb6: {  	s8 =	sor.u32 @!p0 $0x4000, s8;
	s7 =	simm.s32 @!p0 $0x1B8D  }
0xb7: {  	s6 =	sshll.u32 @!p0 s6, $0x11;
	s8 =	sadd.s32 @!p0 $0x11B8D, s8;
	_ =	swait.eq @!p0 [sflag:s7], $0x1  }
0xb8: {  	s6 =	sor.u32 @!p0 s6, s8;
	[sflag:s7] =	ssyncadd.s32 @!p0 $0xFFFFFFFF  }
0xb9: {  	s25 =	simm.s32 $0x1B8E;
	s24 =	sld [smem:$0x3FFE];
	[sflag:s6] =	ssyncadd.remote.s32 @!p0 $0x1  }
0xba: {  	s26 =	simm.s32 $execute0_lowered;
	[smem:$0x3FD2] =	sst s25  }
0xbb: {  	s7 =	sshll.u32 s26, $0x1;
	_ =	strace $0x80000050;
	[dreg:$0x1] =	wrdreg $0xFFFFFFFF  }
0xbc: {  	s28 =	simm.s32 $_size_execute0_lowered;
	s5 =	sadd.s32 s5, s7;
	[dreg:$0x0] =	wrdreg $0x0  }
0xbd: {  	s7 =	sshll.u32 s28, $0x1;
	[dreg:$0x2] =	wrdreg s5  }
0xbe: {  	[dreg:$0x3] =	wrdreg s7  }
0xbf: {  	[dreg:$0x4] =	wrdreg $0xC0  }
0xc0: {  	_ =	task [dreg:s22], $0x5FFFF  }
0xc1: {  	[dreg:$0x1] =	wrdreg $0xFFFFFFFF  }
0xc2: {  	[dreg:$0x0] =	wrdreg $0x60  }
0xc3: {  	[dreg:$0x2] =	wrdreg s24  }
0xc4: {  	[dreg:$0x3] =	wrdreg s18  }
0xc5: {  	[dreg:$0x4] =	wrdreg s17  }
0xc6: {  	[dreg:$0x5] =	wrdreg $0x9  }
0xc7: {  	_ =	task.clear_ibuf [dreg:s22], $0x6FFFF;
	_ =	strace $0x90000050  }
0xc8: {  	s29 =	simm.s32 $0x9;
	_ =	strace $0x80000059  }
0xc9: {  	_ =	swait.ge [sflag:s29], $0x1  }
0xca: {  	[sflag:s29] =	ssyncadd.s32 $0xFFFFFFFF  }
0xcb: {  	_ =	strace $0x90000059  }
0xcc: {  	_ =	sfence  }
0xcd: {  	s30 =	sld [smem:$0x0];
	_ =	sdelay $0x2  }
0xce: {  	s31 =	sshll.u32 s1, $0xD;
	s1 =	sshrl.u32 s1, $0x2  }
0xcf: {  	s4 =	sand.u32 $0x4000, s31;
	s1 =	sadd.s32 s1, s30  }
0xd0: {  	s0 =	sor.u32 s4, s0;
	s1 =	sshll.u32 s1, $0x11  }
0xd1: {  	s0 =	sor.u32 s1, s0  }
0xd2: {  	s0 =	sadd.s32 $0x8F2B, s0  }
0xd3: {  	[sflag:s0] =	ssyncadd.remote.s32 $0x1  }
0xd4: {  	_ =	sfence.sel $0xFFFF  }
0xd5: {  	[dreg:$0x0] =	wrdreg $0xFFFFFFFF;
	(pc) =	sbr.abs _section_cstart, $3  }
0xd6: {  	[dreg:$0x1] =	wrdreg $0xFFFFFFFF  }
0xd7: {  	_ =	task.clear_ibuf [dreg:s22], $0x2FFFF;
	_ =	strace $0x9FFFFFFF  }
0xd8: {  	(tm) =	ssettm $0x7FFFFFFF  }
0xd9: {  	_ =	shalt  }
tec
execute0_lowered:
.L_overlay_start_1:
0x0: {  	(tag) =	ssettag $0x1  }
0x1: {  	s4 =	rddreg [dreg:$0x0]  }
0x2: {  	s1 =	rddreg [dreg:$0x1]  }
0x3: {  	s0 =	rddreg [dreg:$0x2];
	s2 =	srdreg.scid  }
0x4: {  	s3 =	simm.s32 $0x0;
	s31 =	simm.s32 $0x80;
	[dreg:$0x6] =	wrdreg s0  }
0x5: {  	s9 =	simm.s32 $0x3;
	s10 =	simm.s32 $0x0;
	s0 =	rddreg [dreg:$0x3]  }
0x6: {  	s5 =	sand.u32 $0x1, s2;
	[smem:$0x7FF] =	sst s3;
	s2 =	stileid.u32  }
0x7: {  	s4 =	sadd.s32 $0x1B9400, s4;
	s6 =	sshll.u32 s5, $0x4;
	s5 =	ssub.s32 $0x2, s5  }
0x8: {  	_ =	strace $0x80000051;
	s6 =	sor.u32 s2, s6;
	s7 =	sshrl.u32 s5, $0x1  }
0x9: {  	[dreg:$0x4] =	wrdreg s4;
	s8 =	smul.u32 $0x190, s6;
	s7 =	ssub.s32 s5, s7  }
0xa: {  	[dreg:$0x5] =	wrdreg s31;
	s4 =	smul.u32 $0x19, s6;
	s6 =	smax.u32 s7, $0x1  }
0xb: {  	s7 =	simm.s32 $0x1;
	s5 =	sadd.s32 s1, s8;
	s8 =	simm.s32 $0x5  }
.LBB2_1:
0xc: {  	_ =	strace $0x80000052;
	s11 =	simm.s32 $0x1;
	p0 =	por $0x0, $0x0  }
0xd: {  	[tilespmem:s3], [sflag:$0x1] =	stream.linear.gather [hbm4b:s5+s3], $0x80, $0x200038;
	[tilespmem:$0x8100] =	vst v63  }
0xe: {  	s11 =	simm.s32 @p0 $0x0  }
0xf: {  	p4 =	por $0x1, $0x1;
	s20 =	sand.u32 $0x1, s3;
	p1 =	sne.s32 s11, $0x0  }
0x10: {  	p2 =	por $0x1, $0x1;
	s18 =	simm.s32 $0x17;
	p0 =	por !p4, !p1  }
0x11: {  	s16 =	simm.s32 $0x0;
	p5 =	por $0x0, $0x0;
	p0 =	por !p0, !p0  }
0x12: {  	s23 =	sadd.s32 $0x0, s4;
	s30 =	sadd.s32 $0x1, s20;
	s12 =	sadd.s32 @p0 s4, s11  }
0x13: {  	_ =	strace $0x90000052;
	s13 =	sand.u32 @p0 $0x1, s7;
	s12 =	sshll.u32 @p0 s12, $0x4  }
0x14: {  	_ =	strace @p0 $0x80000053;
	s15 =	simm.s32 @p0 $0x0;
	s12 =	sand.u32 @p0 $0x1FFFFFF0, s12  }
0x15: {  	s14 =	sshll.u32 @p0 s13, $0x7;
	s13 =	sadd.s32 @p0 $0x1, s13;
	s12 =	sadd.s32 @p0 s1, s12  }
0x16: {  	[tilespmem:s14], [sflag:s13] =	stream.linear.gather @p0 [hbm4b:s12+s15], $0x80, $0x200038;
	[tilespmem:$0x8100] =	vst v63  }
0x17: {  	p3 =	por p2, p2;
	s21 =	sshll.u32 s20, $0xE;
	_ =	strace @p0 $0x90000053  }
0x18: {  	s16 =	sand.u32 $0x80, s16;
	p2 =	por p5, p5;
	_ =	strace $0x80000054  }
0x19: {  	s17 =	sadd.s32 $0x1, s11;
	s22 =	sor.u32 $0x100, s21;
	_ =	swait.ge [sflag:s30], $0x80  }
0x1a: {  	s21 =	simm.s32 $0x1;
	p6 =	por p1, p1;
	[sflag:s30] =	ssyncset.done $0x0  }
0x1b: {  	p1 =	por p3, p3;
	p4 =	por $0x1, $0x1;
	[sflag:s30] =	ssyncadd.s32 $0xFFFFFF80  }
0x1c: {  	s12 =	simm.s32 $0x18;
	s15 =	sand.u32 @!p3 $0x1, s3;
	_ =	strace $0x90000054  }
0x1d: {  	s13 =	simm.s32 $0x1;
	p3 =	seq.s32 s17, $0x19;
	_ =	strace $0x80000055  }
0x1e: {  	s13 =	simm.s32 @!p0 $0x0;
	s17 =	simm.s32 @p3 $0x0;
	s19 =	rddreg [dreg:$0x5]  }
0x1f: {  	p0 =	por $0x0, $0x0;
	s14 =	sadd.s32 $0x1, s13;
	s31 =	rddreg [dreg:$0x4]  }
0x20: {  	[tilespmem:s22], [sflag:$0x5] =	stream.indirect.gather [hbm4b:s31+s19], $0x80, s16, s19, $0x2000b8;
	[tilespmem:$0x8100] =	vst v63  }
0x21: {  	p3 =	sne.s32 s11, s17;
	s21 =	simm.s32 @!p0 $0x0;
	_ =	swait.ge [sflag:s8], $0x4000  }
0x22: {  	p5 =	por !p4, !p3;
	p4 =	por $0x0, $0x0;
	[sflag:s8] =	ssyncset.done $0x0  }
0x23: {  	s13 =	simm.s32 $0x0;
	p6 =	por p4, p6;
	[sflag:s8] =	ssyncadd.s32 $0xFFFFC000  }
0x24: {  	s16 =	simm.s32 $0x0;
	s19 =	simm.s32 $0x0;
	_ =	strace $0x90000055  }
.LBB2_2:
0x25: {  	_ =	strace @p6 $0x80000056;
	s13 =	sadd.s32 s21, s13;
	s21 =	smov.u32 s12  }
0x26: {  	s12 =	smov.u32 s18;
	s18 =	sadd.s32 $0xFFFFFFFF, s18;
	p0 =	por p3, p3  }
0x27: {  	s28 =	sshll.u32 @p6 s23, $0xB;
	s20 =	sadd.s32 @p6 $0x3, s20;
	s24 =	simm.s32 @!p0 $0x0  }
0x28: {  	s25 =	rddreg [dreg:$0x6];
	s28 =	sand.u32 @p6 $0x1FFFF800, s28;
	s24 =	simm.s32 @p0 $0x1  }
0x29: {  	s25 =	sadd.s32 @p6 s25, s28;
	s28 =	simm.s32 @p6 $0x0;
	p0 =	sne.s32 s18, $0x0  }
0x2a: {  	[hbm4b:s25+s28] =	stream.linear.scatter @p6 [tilespmem:s22], [sflag:s20], $0x4000, $0x200038;
	[tilespmem:$0x8100] =	vst v63  }
0x2b: {  	s20 =	sadd.s32 @!p1 $0x3, s15;
	s15 =	simm.s32 @!p0 $0x0  }
0x2c: {  	s26 =	simm.s32 $0x1;
	[smem:$0x7FC] =	sst s24;
	s15 =	simm.s32 @p0 $0x1  }
0x2d: {  	s26 =	simm.s32 @!p6 $0x0;
	_ =	strace @p6 $0x90000056;
	[smem:$0x7FD] =	sst s15  }
0x2e: {  	p5 =	por !p5, !p5;
	s19 =	sadd.s32 s26, s19;
	_ =	strace @!p1 $0x80000057  }
0x2f: {  	s24 =	sand.u32 @!p2 $0x1, s13;
	s22 =	sand.u32 @p5 $0x1, s14;
	_ =	swait.ge @!p1 [sflag:s20], $0x4000  }
0x30: {  	s15 =	smov.u32 s24;
	s24 =	sadd.s32 @p5 s4, s17;
	[sflag:s20] =	ssyncset.done @!p1 $0x0  }
0x31: {  	s25 =	sshll.u32 @p5 s22, $0x7;
	s24 =	sshll.u32 @p5 s24, $0x4;
	[sflag:s20] =	ssyncadd.s32 @!p1 $0xFFFFC000  }
0x32: {  	s20 =	sadd.s32 @p5 $0x1, s22;
	s22 =	sand.u32 @p5 $0x1FFFFFF0, s24;
	_ =	strace @!p1 $0x90000057  }
0x33: {  	s24 =	simm.s32 @p5 $0x0;
	s22 =	sadd.s32 @p5 s1, s22;
	_ =	strace @p5 $0x80000053  }
0x34: {  	[tilespmem:s25], [sflag:s20] =	stream.linear.gather @p5 [hbm4b:s22+s24], $0x80, $0x200038;
	[tilespmem:$0x8100] =	vst v63  }
0x35: {  	s16 =	sadd.s32 s26, s16;
	s26 =	sand.u32 $0x1, s19;
	_ =	strace @p5 $0x90000053  }
0x36: {  	s24 =	sadd.s32 $0x1, s26;
	_ =	strace $0x80000054  }
0x37: {  	_ =	swait.ge [sflag:s24], $0x80  }
0x38: {  	[sflag:s24] =	ssyncset.done $0x0  }
0x39: {  	s20 =	simm.s32 $0x1;
	[sflag:s24] =	ssyncadd.s32 $0xFFFFFF80  }
0x3a: {  	s20 =	simm.s32 @!p5 $0x0;
	_ =	strace $0x90000054  }
0x3b: {  	s14 =	sadd.s32 s20, s14;
	s20 =	sand.u32 $0x1, s16;
	_ =	strace $0x80000055  }
0x3c: {  	s29 =	sshll.u32 s19, $0x7;
	s25 =	sshll.u32 s20, $0xE;
	s26 =	rddreg [dreg:$0x5]  }
0x3d: {  	s29 =	sand.u32 $0x80, s29;
	s22 =	sor.u32 $0x100, s25;
	s30 =	rddreg [dreg:$0x4]  }
0x3e: {  	[tilespmem:s22], [sflag:$0x5] =	stream.indirect.gather [hbm4b:s30+s26], $0x80, s29, s26, $0x2000b8;
	[tilespmem:$0x8100] =	vst v63  }
0x3f: {  	_ =	swait.ge [sflag:s8], $0x4000  }
0x40: {  	s31 =	sadd.s32 $0x1, s17;
	[sflag:s8] =	ssyncset.done $0x0  }
0x41: {  	s23 =	sadd.s32 s4, s11;
	s11 =	smov.u32 s17;
	[sflag:s8] =	ssyncadd.s32 $0xFFFFC000  }
0x42: {  	p3 =	seq.s32 s31, $0x19;
	s17 =	smov.u32 s31;
	_ =	strace $0x90000055  }
0x43: {  	s17 =	simm.s32 @p3 $0x0;
	s31 =	sld [smem:$0x7FD]  }
0x44: {  	p6 =	sne.s32 s12, $0x1;
	p0 =	sne.s32 s21, $0x19;
	p3 =	sne.s32 s11, s17  }
0x45: {  	p5 =	por !p6, !p3;
	p6 =	seq.s32 s21, $0x1;
	s21 =	simm.s32 $0x1  }
0x46: {  	s21 =	simm.s32 @!p0 $0x0;
	p0 =	seq.s32 s31, $0x1  }
.Ltmp0:
0x47: {  	s30 =	sld [smem:$0x7FC];
	(pc) =	sbr.rel @p0 .LBB2_2-.Ltmp0, $4  }
0x48: {  	_ = 	snop  }
0x49: {  	p4 =	seq.s32 s12, $0x19  }
0x4a: {  	p1 =	por p2, p2;
	p2 =	por p4, p4;
	p4 =	seq.s32 s30, $0x1  }
0x4b: {  	p6 =	por p6, p4  }
0x4c: {  	_ =	strace @p6 $0x80000056;
	s23 =	sshll.u32 @p6 s23, $0xB  }
0x4d: {  	s18 =	rddreg [dreg:$0x6];
	s23 =	sand.u32 @p6 $0x1FFFF800, s23  }
0x4e: {  	s20 =	sadd.s32 @p6 $0x3, s20;
	s18 =	sadd.s32 @p6 s18, s23;
	s23 =	simm.s32 @p6 $0x0  }
0x4f: {  	[hbm4b:s18+s23] =	stream.linear.scatter @p6 [tilespmem:s22], [sflag:s20], $0x4000, $0x200038;
	[tilespmem:$0x8100] =	vst v63  }
0x50: {  	p0 =	por !p5, !p5;
	_ =	strace @p6 $0x90000056  }
0x51: {  	s15 =	sadd.s32 @!p1 $0x3, s15;
	s17 =	sadd.s32 @p0 s4, s17;
	_ =	strace @!p1 $0x80000057  }
0x52: {  	s14 =	sand.u32 @p0 $0x1, s14;
	s17 =	sshll.u32 @p0 s17, $0x4;
	_ =	swait.ge @!p1 [sflag:s15], $0x4000  }
0x53: {  	s18 =	simm.s32 $0x1;
	s20 =	sshll.u32 @p0 s14, $0x7;
	[sflag:s15] =	ssyncset.done @!p1 $0x0  }
0x54: {  	s14 =	sadd.s32 @p0 $0x1, s14;
	s18 =	simm.s32 @!p6 $0x0;
	[sflag:s15] =	ssyncadd.s32 @!p1 $0xFFFFC000  }
0x55: {  	s19 =	sadd.s32 s18, s19;
	s15 =	sand.u32 @p0 $0x1FFFFFF0, s17;
	_ =	strace @!p1 $0x90000057  }
0x56: {  	s17 =	simm.s32 @p0 $0x0;
	s15 =	sadd.s32 @p0 s1, s15;
	_ =	strace @p0 $0x80000053  }
0x57: {  	[tilespmem:s20], [sflag:s14] =	stream.linear.gather @p0 [hbm4b:s15+s17], $0x80, $0x200038;
	[tilespmem:$0x8100] =	vst v63  }
0x58: {  	s25 =	sand.u32 $0x1, s19;
	_ =	strace @p0 $0x90000053  }
0x59: {  	s14 =	sadd.s32 $0x1, s25;
	_ =	strace $0x80000054  }
0x5a: {  	_ =	swait.ge [sflag:s14], $0x80  }
0x5b: {  	[sflag:s14] =	ssyncset.done $0x0  }
0x5c: {  	[sflag:s14] =	ssyncadd.s32 $0xFFFFFF80  }
0x5d: {  	s26 =	sadd.s32 s18, s16;
	_ =	strace $0x90000054  }
0x5e: {  	s14 =	sand.u32 $0x1, s26;
	_ =	strace $0x80000055  }
0x5f: {  	s30 =	sshll.u32 s19, $0x7;
	s31 =	sshll.u32 s14, $0xE;
	s28 =	rddreg [dreg:$0x5]  }
0x60: {  	s17 =	sand.u32 $0x80, s30;
	s18 =	sor.u32 $0x100, s31;
	s29 =	rddreg [dreg:$0x4]  }
0x61: {  	[tilespmem:s18], [sflag:$0x5] =	stream.indirect.gather [hbm4b:s29+s28], $0x80, s17, s28, $0x2000b8;
	[tilespmem:$0x8100] =	vst v63  }
0x62: {  	_ =	swait.ge [sflag:s8], $0x4000  }
0x63: {  	[sflag:s8] =	ssyncset.done $0x0  }
0x64: {  	p5 =	por p3, p3;
	p6 =	seq.s32 s12, $0x1;
	[sflag:s8] =	ssyncadd.s32 $0xFFFFC000  }
0x65: {  	s11 =	sadd.s32 s4, s11;
	p0 =	por p6, p5;
	_ =	strace $0x90000055  }
0x66: {  	s11 =	sshll.u32 @p0 s11, $0xB;
	_ =	strace @p0 $0x80000056  }
0x67: {  	s13 =	sadd.s32 s21, s13;
	s11 =	sand.u32 @p0 $0x1FFFF800, s11;
	s12 =	rddreg [dreg:$0x6]  }
0x68: {  	s14 =	sadd.s32 @p0 $0x3, s14;
	s11 =	sadd.s32 @p0 s12, s11;
	s12 =	simm.s32 @p0 $0x0  }
0x69: {  	[hbm4b:s11+s12] =	stream.linear.scatter @p0 [tilespmem:s18], [sflag:s14], $0x4000, $0x200038;
	[tilespmem:$0x8100] =	vst v63  }
0x6a: {  	p1 =	por p2, p2;
	s11 =	sand.u32 @!p2 $0x1, s13;
	_ =	strace @p0 $0x90000056  }
0x6b: {  	s11 =	sadd.s32 @!p1 $0x3, s11;
	_ =	strace @!p1 $0x80000057  }
0x6c: {  	_ =	swait.ge @!p1 [sflag:s11], $0x4000  }
0x6d: {  	[sflag:s11] =	ssyncset.done @!p1 $0x0  }
0x6e: {  	s10 =	sadd.s32 $0x1, s10;
	[sflag:s11] =	ssyncadd.s32 @!p1 $0xFFFFC000  }
0x6f: {  	p0 =	sne.s32 s10, s6;
	_ =	strace @!p1 $0x90000057  }
.Ltmp1:
0x70: {  	_ =	strace $0x80000058;
	(pc) =	sbr.rel @p0 .LBB2_1-.Ltmp1, $4  }
0x71: {  	_ =	swait.ge [sflag:s9], $0x4000  }
0x72: {  	[sflag:s9] =	ssyncset.done $0x0  }
0x73: {  	[sflag:s9] =	ssyncadd.s32 $0xFFFFC000  }
0x74: {  	_ =	strace $0x90000058  }
0x75: {  	_ =	sfence.sel $0x180000  }
0x76: {  	[bflag:$0x0] =	sbarrier.arrive $0xFFFF  }
0x77: {  	p0 =	sne.s32 s2, $0x0;
	_ =	strace $0x90000051  }
0x78: {  	s0 =	sadd.s32 @!p0 $0x100000, s0;
	[bflag:$0x2] =	sbarrier.arrive $0xFFFF  }
0x79: {  	[sflag:s0] =	ssyncadd.tile.s32 @!p0 $0x1;
	_ =	shalt  }
.Lfunc_end2:
_tile_overlayer_lowered:
.L_overlay_start_2:
0x7a: {  	(tag) =	ssettag $0x2  }
0x7b: {  	s0 =	rddreg [dreg:$0x0];
	s2 =	stileid.u32  }
0x7c: {  	s1 =	rddreg [dreg:$0x1];
	p0 =	sne.s32 s2, $0x0  }
0x7d: {  	s3 =	rddreg [dreg:$0x2];
	[bflag:$0x3] =	sbarrier.arrive $0xFFFF;
	s2 =	simm.s32 @!p0 $0x1C01  }
0x7e: {  	[timem:s3], [sflag:s2] =	dma.local @!p0 [hbm:s0], s1  }
0x7f: {  	s0 =	simm.s32 @!p0 $0x1  }
0x80: {  	_ =	swait.ge @!p0 [sflag:s0], s1  }
0x81: {  	s1 =	ssub.s32 @!p0 $0x0, s1;
	[sflag:s0] =	ssyncset.done @!p0 $0x0  }
0x82: {  	[sflag:s0] =	ssyncadd.s32 @!p0 s1  }
0x83: {  	[bflag:$0x3] =	sbarrier.arrive $0xFFFF  }
0x84: {  	_ =	shalt  }

</sc_bundles>
